<compile_context>
chip_gen: v7x
topology: tpu7x:2x2x1
jax: 0.10.2.dev20260603
libtpu: 0.0.44.dev20260713+nightly
codegen_flags: <defaults>
</compile_context>

<pallas_src>
import functools

import jax
import jax.numpy as jnp
from jax import lax
from jax.experimental import pallas as pl
from jax.experimental.pallas import tpu as pltpu
from jax.experimental.pallas import tpu_sc as plsc



def _table_body(ev_ref, hd_ref, es_ref, hs_ref, w_ref, b_ref, out_ref):
    ev = ev_ref[...] * es_ref[0]
    hd = hd_ref[...] * hs_ref[0]
    w = w_ref[...]
    e_dim = ev.shape[1]
    we = w[:, :e_dim]
    wh = w[:, e_dim:]
    t = lax.dot_general(ev, we, (((1,), (1,)), ((), ())),
                        preferred_element_type=jnp.float32)
    t += lax.dot_general(hd, wh, (((1,), (1,)), ((), ())),
                         preferred_element_type=jnp.float32)
    out_ref[...] = t + b_ref[...][None, :]


def _build_table(ev, hd, es, hs, w, b):
    n = ev.shape[0]
    d_out = w.shape[0]
    return pl.pallas_call(
        _table_body,
        out_shape=jax.ShapeDtypeStruct((n, d_out), jnp.float32),
        in_specs=[
            pl.BlockSpec(memory_space=pltpu.VMEM),
            pl.BlockSpec(memory_space=pltpu.VMEM),
            pl.BlockSpec(memory_space=pltpu.SMEM),
            pl.BlockSpec(memory_space=pltpu.SMEM),
            pl.BlockSpec(memory_space=pltpu.VMEM),
            pl.BlockSpec(memory_space=pltpu.VMEM),
        ],
        out_specs=pl.BlockSpec(memory_space=pltpu.VMEM),
    )(ev, hd, es, hs, w, b)



_NC = 2
_NS = 16
_NW = _NC * _NS
_CHUNK = 256
_NBUF = 2


_L = 16
_GRP = _CHUNK // _L
_D = 128


def _gather_body(b_per_w, n_chunk, table_hbm, idx_hbm, out_hbm,
                 tab_v, idx_v, *bufs_and_sems):
    wid = lax.axis_index("s") * _NC + lax.axis_index("c")
    base = wid * b_per_w

    bufs = bufs_and_sems[:_NBUF]
    osems = bufs_and_sems[_NBUF:]

    pltpu.async_copy(table_hbm, tab_v, osems[0])
    pltpu.async_copy(idx_hbm.at[pl.ds(base, b_per_w)], idx_v, osems[1])
    pltpu.make_async_copy(table_hbm, tab_v, osems[0]).wait()
    pltpu.make_async_copy(idx_hbm.at[pl.ds(base, b_per_w)], idx_v,
                          osems[1]).wait()

    iota = lax.iota(jnp.int32, _L)
    cols = [iota + (j * _L) for j in range(_D // _L)]

    def fill_chunk(i, buf):
        @plsc.parallel_loop(0, _CHUNK, step=1, unroll=4)
        def _(p):
            lbl = plsc.load_gather(
                idx_v, [jnp.full((_L,), i * _CHUNK + p, jnp.int32)])
            flat_base = lbl * _D
            vs = [plsc.load_gather(tab_v, [flat_base + cols[j]])
                  for j in range(_D // _L)]
            for j in range(_D // _L):
                buf[pl.ds(p * _D + j * _L, _L)] = vs[j]

    def chunk_body(i, _):
        for s in range(_NBUF):
            @pl.when(lax.rem(i, _NBUF) == s)
            def _():
                @pl.when(i >= _NBUF)
                def _():
                    pltpu.make_async_copy(
                        bufs[s],
                        out_hbm.at[pl.ds((base + (i - _NBUF) * _CHUNK) * _D,
                                         _CHUNK * _D)],
                        osems[s]).wait()
                fill_chunk(i, bufs[s])
                pltpu.async_copy(
                    bufs[s],
                    out_hbm.at[pl.ds((base + i * _CHUNK) * _D, _CHUNK * _D)],
                    osems[s])
        return _

    lax.fori_loop(0, n_chunk, chunk_body, None)

    for i_last in range(n_chunk - _NBUF, n_chunk):
        s = i_last % _NBUF
        pltpu.make_async_copy(
            bufs[s],
            out_hbm.at[pl.ds((base + i_last * _CHUNK) * _D, _CHUNK * _D)],
            osems[s]).wait()


def _gather_rows(table_flat, flat_idx):
    b = flat_idx.shape[0]
    b_per_w = b // _NW
    n_chunk = b_per_w // _CHUNK
    mesh = plsc.VectorSubcoreMesh(core_axis_name="c", subcore_axis_name="s")
    run = pl.kernel(
        functools.partial(_gather_body, b_per_w, n_chunk),
        mesh=mesh,
        compiler_params=pltpu.CompilerParams(needs_layout_passes=False),
        out_type=jax.ShapeDtypeStruct((b * _D,), jnp.float32),
        scratch_types=(
            [pltpu.VMEM(table_flat.shape, jnp.float32),
             pltpu.VMEM((b_per_w,), jnp.int32)]
            + [pltpu.VMEM((_CHUNK * _D,), jnp.float32)] * _NBUF
            + [pltpu.SemaphoreType.DMA] * _NBUF
        ),
    )
    return run(table_flat, flat_idx)


def kernel(labels, elmes_vectors, hdc_vectors, elmes_scale, hdc_scale, W, b):
    batch, hist = labels.shape
    d_out = W.shape[0]
    table = _build_table(elmes_vectors, hdc_vectors, elmes_scale,
                         hdc_scale, W, b)
    flat = labels.reshape(-1).astype(jnp.int32)
    out = _gather_rows(table.reshape(-1), flat)
    return out.reshape(batch, hist, d_out)

# --- scband reference (transcript-rebuilt; emitter-appended) ---
"""Pipeline reference for scband-hybrid-encoder-6210522710404 (READ-ONLY COPY).

The authoritative reference and input builder live on the scoring server;
editing this copy changes nothing except your own understanding.
"""

import jax, jax.numpy as jnp
import numpy as np

NUM_CLASSES = 100
ELMES_DIM = 128
HDC_DIM = 16
BATCH = 4096
HIST = 200


def setup_inputs(seed: int = 0) -> dict:
    key = jax.random.key(seed)
    k1, k2, k3, k4, k5 = jax.random.split(key, 5)
    labels = jax.random.randint(k1, (BATCH, HIST), 0, NUM_CLASSES, dtype=jnp.int64 if jax.config.jax_enable_x64 else jnp.int32)
    # ELMES-like vectors: unit-norm rows (faithful to forward math; construction detail irrelevant to forward)
    ev = jax.random.normal(k2, (NUM_CLASSES, ELMES_DIM), dtype=jnp.float32)
    ev = ev / jnp.linalg.norm(ev, axis=1, keepdims=True)
    # Hyperdimensional +/-1 vectors
    hd = 2.0 * jax.random.randint(k3, (NUM_CLASSES, HDC_DIM), 0, 2).astype(jnp.float32) - 1.0
    elmes_scale = jnp.ones((1,), dtype=jnp.float32)
    hdc_scale = jnp.ones((1,), dtype=jnp.float32)
    fan_in = ELMES_DIM + HDC_DIM
    bound = 1.0 / np.sqrt(fan_in)
    W = jax.random.uniform(k4, (ELMES_DIM, fan_in), minval=-bound, maxval=bound, dtype=jnp.float32)
    b = jax.random.uniform(k5, (ELMES_DIM,), minval=-bound, maxval=bound, dtype=jnp.float32)
    return {"labels": labels, "elmes_vectors": ev, "hdc_vectors": hd, "elmes_scale": elmes_scale, "hdc_scale": hdc_scale, "W": W, "b": b}


def reference(labels, elmes_vectors, hdc_vectors, elmes_scale, hdc_scale, W, b):
    elmes_repr = elmes_scale * jnp.take(elmes_vectors, labels, axis=0)
    hdc_repr = hdc_scale * jnp.take(hdc_vectors, labels, axis=0)
    combined = jnp.concatenate([elmes_repr, hdc_repr], axis=-1)
    return combined @ W.T + b

if __name__ == "__main__":
    import jax
    _d = setup_inputs()
    print(jax.jit(kernel)(*tuple(_d.values())))

</pallas_src>

<mosaic_0001>
#map = affine_map<(d0, d1) -> (0)>
module attributes {stable_mosaic.version = 14 : i64} {
  func.func @_gather_body(%arg0: i32, %arg1: i32, %arg2: memref<12800xf32, #tpu.memory_space<hbm>>, %arg3: memref<819200xi32, #tpu.memory_space<hbm>>, %arg4: memref<104857600xf32, #tpu.memory_space<hbm>>, %arg5: memref<12800xf32, #tpu.memory_space<vmem>>, %arg6: memref<25600xi32, #tpu.memory_space<vmem>>, %arg7: memref<32768xf32, #tpu.memory_space<vmem>>, %arg8: memref<32768xf32, #tpu.memory_space<vmem>>, %arg9: memref<!tpu.dma_semaphore, #tpu.memory_space<semaphore_mem>>, %arg10: memref<!tpu.dma_semaphore, #tpu.memory_space<semaphore_mem>>) attributes {dimension_semantics = [#tpu.dimension_semantics<core_parallel>, #tpu.dimension_semantics<subcore_parallel>], iteration_bounds = array<i64: 2, 16>, scalar_prefetch = 0 : i64, scratch_operands = 6 : i64, tpu.core_type = #tpu.core_type<sc_vector_subcore>, window_params = [{transform_indices = #map}, {transform_indices = #map}, {transform_indices = #map}]} {
    %mul3A = arith.constant 2 : i32
    %mul3A_0 = arith.muli %arg1, %mul3A : i32
    %add3A = arith.addi %mul3A_0, %arg0 : i32
    %mul3A_1 = arith.constant 25600 : i32
    %mul3A_2 = arith.muli %add3A, %mul3A_1 : i32
    tpu.enqueue_dma source(%arg2 : memref<12800xf32, #tpu.memory_space<hbm>>) target(%arg5 : memref<12800xf32, #tpu.memory_space<vmem>>) target_semaphore(%arg9 : memref<!tpu.dma_semaphore, #tpu.memory_space<semaphore_mem>>)
    %dma_start3A = tpu.memref_slice %arg3[%mul3A_2] : memref<819200xi32, #tpu.memory_space<hbm>> -> memref<25600xi32, #tpu.memory_space<hbm>>
    %dma_start3A_3 = tpu.memref_slice %arg3[%mul3A_2] : memref<819200xi32, #tpu.memory_space<hbm>> -> memref<25600xi32, #tpu.memory_space<hbm>>
    tpu.enqueue_dma source(%dma_start3A_3 : memref<25600xi32, #tpu.memory_space<hbm>>) target(%arg6 : memref<25600xi32, #tpu.memory_space<vmem>>) target_semaphore(%arg10 : memref<!tpu.dma_semaphore, #tpu.memory_space<semaphore_mem>>)
    tpu.wait_dma2 semaphore(%arg9 : memref<!tpu.dma_semaphore, #tpu.memory_space<semaphore_mem>>) src(%arg2 : memref<12800xf32, #tpu.memory_space<hbm>>) dst(%arg5 : memref<12800xf32, #tpu.memory_space<vmem>>)
    %dma_wait3A = tpu.memref_slice %arg3[%mul3A_2] : memref<819200xi32, #tpu.memory_space<hbm>> -> memref<25600xi32, #tpu.memory_space<hbm>>
    %dma_wait3A_4 = tpu.memref_slice %arg3[%mul3A_2] : memref<819200xi32, #tpu.memory_space<hbm>> -> memref<25600xi32, #tpu.memory_space<hbm>>
    tpu.wait_dma2 semaphore(%arg10 : memref<!tpu.dma_semaphore, #tpu.memory_space<semaphore_mem>>) src(%dma_wait3A_4 : memref<25600xi32, #tpu.memory_space<hbm>>) dst(%arg6 : memref<25600xi32, #tpu.memory_space<vmem>>)
    %iota3A = tpu.iota {dimensions = array<i32: 0>} : vector<16xi32>
    %add3A_5 = arith.constant 0 : i32
    %add3A_6 = vector.broadcast %add3A_5 : i32 to vector<16xi32>
    %add3A_7 = arith.addi %iota3A, %add3A_6 : vector<16xi32>
    %add3A_8 = arith.constant 16 : i32
    %add3A_9 = vector.broadcast %add3A_8 : i32 to vector<16xi32>
    %add3A_10 = arith.addi %iota3A, %add3A_9 : vector<16xi32>
    %add3A_11 = arith.constant 32 : i32
    %add3A_12 = vector.broadcast %add3A_11 : i32 to vector<16xi32>
    %add3A_13 = arith.addi %iota3A, %add3A_12 : vector<16xi32>
    %add3A_14 = arith.constant 48 : i32
    %add3A_15 = vector.broadcast %add3A_14 : i32 to vector<16xi32>
    %add3A_16 = arith.addi %iota3A, %add3A_15 : vector<16xi32>
    %add3A_17 = arith.constant 64 : i32
    %add3A_18 = vector.broadcast %add3A_17 : i32 to vector<16xi32>
    %add3A_19 = arith.addi %iota3A, %add3A_18 : vector<16xi32>
    %add3A_20 = arith.constant 80 : i32
    %add3A_21 = vector.broadcast %add3A_20 : i32 to vector<16xi32>
    %add3A_22 = arith.addi %iota3A, %add3A_21 : vector<16xi32>
    %add3A_23 = arith.constant 96 : i32
    %add3A_24 = vector.broadcast %add3A_23 : i32 to vector<16xi32>
    %add3A_25 = arith.addi %iota3A, %add3A_24 : vector<16xi32>
    %add3A_26 = arith.constant 112 : i32
    %add3A_27 = vector.broadcast %add3A_26 : i32 to vector<16xi32>
    %add3A_28 = arith.addi %iota3A, %add3A_27 : vector<16xi32>
    %scan3A = arith.constant 0 : i32
    %scan3A_29 = arith.constant 100 : i32
    %scan3A_30 = arith.addi %scan3A, %scan3A_29 : i32
    %scan3A_31 = arith.constant 1 : i32
    scf.for %scan3A_45 = %scan3A to %scan3A_30 step %scan3A_31  : i32 {
      %rem3A = arith.constant 2 : i32
      %rem3A_46 = arith.remsi %scan3A_45, %rem3A : i32
      %eq3A = arith.constant 0 : i32
      %eq3A_47 = arith.cmpi eq, %rem3A_46, %eq3A : i32
      %convert_element_type3A = arith.extui %eq3A_47 : i1 to i32
      %cond3A = arith.constant 0 : i32
      %cond3A_48 = arith.cmpi ne, %convert_element_type3A, %cond3A : i32
      scf.if %cond3A_48 {
        %ge3A = arith.constant 2 : i32
        %ge3A_56 = arith.cmpi sge, %scan3A_45, %ge3A : i32
        %convert_element_type3A_57 = arith.extui %ge3A_56 : i1 to i32
        %cond3A_58 = arith.constant 0 : i32
        %cond3A_59 = arith.cmpi ne, %convert_element_type3A_57, %cond3A_58 : i32
        scf.if %cond3A_59 {
          %sub3A = arith.constant 2 : i32
          %sub3A_69 = arith.subi %scan3A_45, %sub3A : i32
          %mul3A_70 = arith.constant 256 : i32
          %mul3A_71 = arith.muli %sub3A_69, %mul3A_70 : i32
          %add3A_72 = arith.addi %mul3A_2, %mul3A_71 : i32
          %mul3A_73 = arith.constant 128 : i32
          %mul3A_74 = arith.muli %add3A_72, %mul3A_73 : i32
          %dma_wait3A_75 = tpu.memref_slice %arg4[%mul3A_74] : memref<104857600xf32, #tpu.memory_space<hbm>> -> memref<32768xf32, #tpu.memory_space<hbm>>
          %dma_wait3A_76 = tpu.memref_slice %arg4[%mul3A_74] : memref<104857600xf32, #tpu.memory_space<hbm>> -> memref<32768xf32, #tpu.memory_space<hbm>>
          tpu.wait_dma2 semaphore(%arg9 : memref<!tpu.dma_semaphore, #tpu.memory_space<semaphore_mem>>) src(%arg7 : memref<32768xf32, #tpu.memory_space<vmem>>) dst(%dma_wait3A_76 : memref<32768xf32, #tpu.memory_space<hbm>>)
        } else {
        }
        %parallel_loop3A = arith.constant 0 : i32
        %parallel_loop3A_60 = arith.constant 256 : i32
        %parallel_loop3A_61 = arith.constant 1 : i32
        scf.for %parallel_loop3A_69 = %parallel_loop3A to %parallel_loop3A_60 step %parallel_loop3A_61  : i32 {
          %parallel_loop3A_70 = arith.constant 256 : i32
          %parallel_loop3A_71 = arith.muli %scan3A_45, %parallel_loop3A_70 : i32
          %parallel_loop3A_72 = arith.addi %parallel_loop3A_71, %parallel_loop3A_69 : i32
          %parallel_loop3A_73 = vector.broadcast %parallel_loop3A_72 : i32 to vector<16xi32>
          %parallel_loop3A_74 = tpu.vector_load_idx %arg6[%parallel_loop3A_73] : memref<25600xi32, #tpu.memory_space<vmem>>[vector<16xi32>], vector<16xi32>,
          %parallel_loop3A_75 = arith.constant 128 : i32
          %parallel_loop3A_76 = vector.broadcast %parallel_loop3A_75 : i32 to vector<16xi32>
          %parallel_loop3A_77 = arith.muli %parallel_loop3A_74, %parallel_loop3A_76 : vector<16xi32>
          %parallel_loop3A_78 = arith.addi %parallel_loop3A_77, %add3A_7 : vector<16xi32>
          %parallel_loop3A_79 = tpu.vector_load_idx %arg5[%parallel_loop3A_78] : memref<12800xf32, #tpu.memory_space<vmem>>[vector<16xi32>], vector<16xf32>,
          %parallel_loop3A_80 = arith.addi %parallel_loop3A_77, %add3A_10 : vector<16xi32>
          %parallel_loop3A_81 = tpu.vector_load_idx %arg5[%parallel_loop3A_80] : memref<12800xf32, #tpu.memory_space<vmem>>[vector<16xi32>], vector<16xf32>,
          %parallel_loop3A_82 = arith.addi %parallel_loop3A_77, %add3A_13 : vector<16xi32>
          %parallel_loop3A_83 = tpu.vector_load_idx %arg5[%parallel_loop3A_82] : memref<12800xf32, #tpu.memory_space<vmem>>[vector<16xi32>], vector<16xf32>,
          %parallel_loop3A_84 = arith.addi %parallel_loop3A_77, %add3A_16 : vector<16xi32>
          %parallel_loop3A_85 = tpu.vector_load_idx %arg5[%parallel_loop3A_84] : memref<12800xf32, #tpu.memory_space<vmem>>[vector<16xi32>], vector<16xf32>,
          %parallel_loop3A_86 = arith.addi %parallel_loop3A_77, %add3A_19 : vector<16xi32>
          %parallel_loop3A_87 = tpu.vector_load_idx %arg5[%parallel_loop3A_86] : memref<12800xf32, #tpu.memory_space<vmem>>[vector<16xi32>], vector<16xf32>,
          %parallel_loop3A_88 = arith.addi %parallel_loop3A_77, %add3A_22 : vector<16xi32>
          %parallel_loop3A_89 = tpu.vector_load_idx %arg5[%parallel_loop3A_88] : memref<12800xf32, #tpu.memory_space<vmem>>[vector<16xi32>], vector<16xf32>,
          %parallel_loop3A_90 = arith.addi %parallel_loop3A_77, %add3A_25 : vector<16xi32>
          %parallel_loop3A_91 = tpu.vector_load_idx %arg5[%parallel_loop3A_90] : memref<12800xf32, #tpu.memory_space<vmem>>[vector<16xi32>], vector<16xf32>,
          %parallel_loop3A_92 = arith.addi %parallel_loop3A_77, %add3A_28 : vector<16xi32>
          %parallel_loop3A_93 = tpu.vector_load_idx %arg5[%parallel_loop3A_92] : memref<12800xf32, #tpu.memory_space<vmem>>[vector<16xi32>], vector<16xf32>,
          %parallel_loop3A_94 = arith.constant 128 : i32
          %parallel_loop3A_95 = arith.muli %parallel_loop3A_69, %parallel_loop3A_94 : i32
          %parallel_loop3A_96 = arith.constant 0 : i32
          %parallel_loop3A_97 = arith.addi %parallel_loop3A_95, %parallel_loop3A_96 : i32
          %parallel_loop3A_98 = arith.index_cast %parallel_loop3A_97 : i32 to index
          %parallel_loop3A_99 = tpu.vector_load %arg7[%parallel_loop3A_98] {strides = array<i32>} : memref<32768xf32, #tpu.memory_space<vmem>>, vector<16xf32>,
          tpu.vector_store %arg7[%parallel_loop3A_98], %parallel_loop3A_79 {strides = array<i32>} : memref<32768xf32, #tpu.memory_space<vmem>>, vector<16xf32>,
          %parallel_loop3A_100 = arith.constant 128 : i32
          %parallel_loop3A_101 = arith.muli %parallel_loop3A_69, %parallel_loop3A_100 : i32
          %parallel_loop3A_102 = arith.constant 16 : i32
          %parallel_loop3A_103 = arith.addi %parallel_loop3A_101, %parallel_loop3A_102 : i32
          %parallel_loop3A_104 = arith.index_cast %parallel_loop3A_103 : i32 to index
          %parallel_loop3A_105 = tpu.vector_load %arg7[%parallel_loop3A_104] {strides = array<i32>} : memref<32768xf32, #tpu.memory_space<vmem>>, vector<16xf32>,
          tpu.vector_store %arg7[%parallel_loop3A_104], %parallel_loop3A_81 {strides = array<i32>} : memref<32768xf32, #tpu.memory_space<vmem>>, vector<16xf32>,
          %parallel_loop3A_106 = arith.constant 128 : i32
          %parallel_loop3A_107 = arith.muli %parallel_loop3A_69, %parallel_loop3A_106 : i32
          %parallel_loop3A_108 = arith.constant 32 : i32
          %parallel_loop3A_109 = arith.addi %parallel_loop3A_107, %parallel_loop3A_108 : i32
          %parallel_loop3A_110 = arith.index_cast %parallel_loop3A_109 : i32 to index
          %parallel_loop3A_111 = tpu.vector_load %arg7[%parallel_loop3A_110] {strides = array<i32>} : memref<32768xf32, #tpu.memory_space<vmem>>, vector<16xf32>,
          tpu.vector_store %arg7[%parallel_loop3A_110], %parallel_loop3A_83 {strides = array<i32>} : memref<32768xf32, #tpu.memory_space<vmem>>, vector<16xf32>,
          %parallel_loop3A_112 = arith.constant 128 : i32
          %parallel_loop3A_113 = arith.muli %parallel_loop3A_69, %parallel_loop3A_112 : i32
          %parallel_loop3A_114 = arith.constant 48 : i32
          %parallel_loop3A_115 = arith.addi %parallel_loop3A_113, %parallel_loop3A_114 : i32
          %parallel_loop3A_116 = arith.index_cast %parallel_loop3A_115 : i32 to index
          %parallel_loop3A_117 = tpu.vector_load %arg7[%parallel_loop3A_116] {strides = array<i32>} : memref<32768xf32, #tpu.memory_space<vmem>>, vector<16xf32>,
          tpu.vector_store %arg7[%parallel_loop3A_116], %parallel_loop3A_85 {strides = array<i32>} : memref<32768xf32, #tpu.memory_space<vmem>>, vector<16xf32>,
          %parallel_loop3A_118 = arith.constant 128 : i32
          %parallel_loop3A_119 = arith.muli %parallel_loop3A_69, %parallel_loop3A_118 : i32
          %parallel_loop3A_120 = arith.constant 64 : i32
          %parallel_loop3A_121 = arith.addi %parallel_loop3A_119, %parallel_loop3A_120 : i32
          %parallel_loop3A_122 = arith.index_cast %parallel_loop3A_121 : i32 to index
          %parallel_loop3A_123 = tpu.vector_load %arg7[%parallel_loop3A_122] {strides = array<i32>} : memref<32768xf32, #tpu.memory_space<vmem>>, vector<16xf32>,
          tpu.vector_store %arg7[%parallel_loop3A_122], %parallel_loop3A_87 {strides = array<i32>} : memref<32768xf32, #tpu.memory_space<vmem>>, vector<16xf32>,
          %parallel_loop3A_124 = arith.constant 128 : i32
          %parallel_loop3A_125 = arith.muli %parallel_loop3A_69, %parallel_loop3A_124 : i32
          %parallel_loop3A_126 = arith.constant 80 : i32
          %parallel_loop3A_127 = arith.addi %parallel_loop3A_125, %parallel_loop3A_126 : i32
          %parallel_loop3A_128 = arith.index_cast %parallel_loop3A_127 : i32 to index
          %parallel_loop3A_129 = tpu.vector_load %arg7[%parallel_loop3A_128] {strides = array<i32>} : memref<32768xf32, #tpu.memory_space<vmem>>, vector<16xf32>,
          tpu.vector_store %arg7[%parallel_loop3A_128], %parallel_loop3A_89 {strides = array<i32>} : memref<32768xf32, #tpu.memory_space<vmem>>, vector<16xf32>,
          %parallel_loop3A_130 = arith.constant 128 : i32
          %parallel_loop3A_131 = arith.muli %parallel_loop3A_69, %parallel_loop3A_130 : i32
          %parallel_loop3A_132 = arith.constant 96 : i32
          %parallel_loop3A_133 = arith.addi %parallel_loop3A_131, %parallel_loop3A_132 : i32
          %parallel_loop3A_134 = arith.index_cast %parallel_loop3A_133 : i32 to index
          %parallel_loop3A_135 = tpu.vector_load %arg7[%parallel_loop3A_134] {strides = array<i32>} : memref<32768xf32, #tpu.memory_space<vmem>>, vector<16xf32>,
          tpu.vector_store %arg7[%parallel_loop3A_134], %parallel_loop3A_91 {strides = array<i32>} : memref<32768xf32, #tpu.memory_space<vmem>>, vector<16xf32>,
          %parallel_loop3A_136 = arith.constant 128 : i32
          %parallel_loop3A_137 = arith.muli %parallel_loop3A_69, %parallel_loop3A_136 : i32
          %parallel_loop3A_138 = arith.constant 112 : i32
          %parallel_loop3A_139 = arith.addi %parallel_loop3A_137, %parallel_loop3A_138 : i32
          %parallel_loop3A_140 = arith.index_cast %parallel_loop3A_139 : i32 to index
          %parallel_loop3A_141 = tpu.vector_load %arg7[%parallel_loop3A_140] {strides = array<i32>} : memref<32768xf32, #tpu.memory_space<vmem>>, vector<16xf32>,
          tpu.vector_store %arg7[%parallel_loop3A_140], %parallel_loop3A_93 {strides = array<i32>} : memref<32768xf32, #tpu.memory_space<vmem>>, vector<16xf32>,
        } {sc.loop_unroll_factor = 4 : i64, sc.parallel_access}
        %mul3A_62 = arith.constant 256 : i32
        %mul3A_63 = arith.muli %scan3A_45, %mul3A_62 : i32
        %add3A_64 = arith.addi %mul3A_2, %mul3A_63 : i32
        %mul3A_65 = arith.constant 128 : i32
        %mul3A_66 = arith.muli %add3A_64, %mul3A_65 : i32
        %dma_start3A_67 = tpu.memref_slice %arg4[%mul3A_66] : memref<104857600xf32, #tpu.memory_space<hbm>> -> memref<32768xf32, #tpu.memory_space<hbm>>
        %dma_start3A_68 = tpu.memref_slice %arg4[%mul3A_66] : memref<104857600xf32, #tpu.memory_space<hbm>> -> memref<32768xf32, #tpu.memory_space<hbm>>
        tpu.enqueue_dma source(%arg7 : memref<32768xf32, #tpu.memory_space<vmem>>) target(%dma_start3A_68 : memref<32768xf32, #tpu.memory_space<hbm>>) target_semaphore(%arg9 : memref<!tpu.dma_semaphore, #tpu.memory_space<semaphore_mem>>)
      } else {
      }
      %rem3A_49 = arith.constant 2 : i32
      %rem3A_50 = arith.remsi %scan3A_45, %rem3A_49 : i32
      %eq3A_51 = arith.constant 1 : i32
      %eq3A_52 = arith.cmpi eq, %rem3A_50, %eq3A_51 : i32
      %convert_element_type3A_53 = arith.extui %eq3A_52 : i1 to i32
      %cond3A_54 = arith.constant 0 : i32
      %cond3A_55 = arith.cmpi ne, %convert_element_type3A_53, %cond3A_54 : i32
      scf.if %cond3A_55 {
        %ge3A = arith.constant 2 : i32
        %ge3A_56 = arith.cmpi sge, %scan3A_45, %ge3A : i32
        %convert_element_type3A_57 = arith.extui %ge3A_56 : i1 to i32
        %cond3A_58 = arith.constant 0 : i32
        %cond3A_59 = arith.cmpi ne, %convert_element_type3A_57, %cond3A_58 : i32
        scf.if %cond3A_59 {
          %sub3A = arith.constant 2 : i32
          %sub3A_69 = arith.subi %scan3A_45, %sub3A : i32
          %mul3A_70 = arith.constant 256 : i32
          %mul3A_71 = arith.muli %sub3A_69, %mul3A_70 : i32
          %add3A_72 = arith.addi %mul3A_2, %mul3A_71 : i32
          %mul3A_73 = arith.constant 128 : i32
          %mul3A_74 = arith.muli %add3A_72, %mul3A_73 : i32
          %dma_wait3A_75 = tpu.memref_slice %arg4[%mul3A_74] : memref<104857600xf32, #tpu.memory_space<hbm>> -> memref<32768xf32, #tpu.memory_space<hbm>>
          %dma_wait3A_76 = tpu.memref_slice %arg4[%mul3A_74] : memref<104857600xf32, #tpu.memory_space<hbm>> -> memref<32768xf32, #tpu.memory_space<hbm>>
          tpu.wait_dma2 semaphore(%arg10 : memref<!tpu.dma_semaphore, #tpu.memory_space<semaphore_mem>>) src(%arg8 : memref<32768xf32, #tpu.memory_space<vmem>>) dst(%dma_wait3A_76 : memref<32768xf32, #tpu.memory_space<hbm>>)
        } else {
        }
        %parallel_loop3A = arith.constant 0 : i32
        %parallel_loop3A_60 = arith.constant 256 : i32
        %parallel_loop3A_61 = arith.constant 1 : i32
        scf.for %parallel_loop3A_69 = %parallel_loop3A to %parallel_loop3A_60 step %parallel_loop3A_61  : i32 {
          %parallel_loop3A_70 = arith.constant 256 : i32
          %parallel_loop3A_71 = arith.muli %scan3A_45, %parallel_loop3A_70 : i32
          %parallel_loop3A_72 = arith.addi %parallel_loop3A_71, %parallel_loop3A_69 : i32
          %parallel_loop3A_73 = vector.broadcast %parallel_loop3A_72 : i32 to vector<16xi32>
          %parallel_loop3A_74 = tpu.vector_load_idx %arg6[%parallel_loop3A_73] : memref<25600xi32, #tpu.memory_space<vmem>>[vector<16xi32>], vector<16xi32>,
          %parallel_loop3A_75 = arith.constant 128 : i32
          %parallel_loop3A_76 = vector.broadcast %parallel_loop3A_75 : i32 to vector<16xi32>
          %parallel_loop3A_77 = arith.muli %parallel_loop3A_74, %parallel_loop3A_76 : vector<16xi32>
          %parallel_loop3A_78 = arith.addi %parallel_loop3A_77, %add3A_7 : vector<16xi32>
          %parallel_loop3A_79 = tpu.vector_load_idx %arg5[%parallel_loop3A_78] : memref<12800xf32, #tpu.memory_space<vmem>>[vector<16xi32>], vector<16xf32>,
          %parallel_loop3A_80 = arith.addi %parallel_loop3A_77, %add3A_10 : vector<16xi32>
          %parallel_loop3A_81 = tpu.vector_load_idx %arg5[%parallel_loop3A_80] : memref<12800xf32, #tpu.memory_space<vmem>>[vector<16xi32>], vector<16xf32>,
          %parallel_loop3A_82 = arith.addi %parallel_loop3A_77, %add3A_13 : vector<16xi32>
          %parallel_loop3A_83 = tpu.vector_load_idx %arg5[%parallel_loop3A_82] : memref<12800xf32, #tpu.memory_space<vmem>>[vector<16xi32>], vector<16xf32>,
          %parallel_loop3A_84 = arith.addi %parallel_loop3A_77, %add3A_16 : vector<16xi32>
          %parallel_loop3A_85 = tpu.vector_load_idx %arg5[%parallel_loop3A_84] : memref<12800xf32, #tpu.memory_space<vmem>>[vector<16xi32>], vector<16xf32>,
          %parallel_loop3A_86 = arith.addi %parallel_loop3A_77, %add3A_19 : vector<16xi32>
          %parallel_loop3A_87 = tpu.vector_load_idx %arg5[%parallel_loop3A_86] : memref<12800xf32, #tpu.memory_space<vmem>>[vector<16xi32>], vector<16xf32>,
          %parallel_loop3A_88 = arith.addi %parallel_loop3A_77, %add3A_22 : vector<16xi32>
          %parallel_loop3A_89 = tpu.vector_load_idx %arg5[%parallel_loop3A_88] : memref<12800xf32, #tpu.memory_space<vmem>>[vector<16xi32>], vector<16xf32>,
          %parallel_loop3A_90 = arith.addi %parallel_loop3A_77, %add3A_25 : vector<16xi32>
          %parallel_loop3A_91 = tpu.vector_load_idx %arg5[%parallel_loop3A_90] : memref<12800xf32, #tpu.memory_space<vmem>>[vector<16xi32>], vector<16xf32>,
          %parallel_loop3A_92 = arith.addi %parallel_loop3A_77, %add3A_28 : vector<16xi32>
          %parallel_loop3A_93 = tpu.vector_load_idx %arg5[%parallel_loop3A_92] : memref<12800xf32, #tpu.memory_space<vmem>>[vector<16xi32>], vector<16xf32>,
          %parallel_loop3A_94 = arith.constant 128 : i32
          %parallel_loop3A_95 = arith.muli %parallel_loop3A_69, %parallel_loop3A_94 : i32
          %parallel_loop3A_96 = arith.constant 0 : i32
          %parallel_loop3A_97 = arith.addi %parallel_loop3A_95, %parallel_loop3A_96 : i32
          %parallel_loop3A_98 = arith.index_cast %parallel_loop3A_97 : i32 to index
          %parallel_loop3A_99 = tpu.vector_load %arg8[%parallel_loop3A_98] {strides = array<i32>} : memref<32768xf32, #tpu.memory_space<vmem>>, vector<16xf32>,
          tpu.vector_store %arg8[%parallel_loop3A_98], %parallel_loop3A_79 {strides = array<i32>} : memref<32768xf32, #tpu.memory_space<vmem>>, vector<16xf32>,
          %parallel_loop3A_100 = arith.constant 128 : i32
          %parallel_loop3A_101 = arith.muli %parallel_loop3A_69, %parallel_loop3A_100 : i32
          %parallel_loop3A_102 = arith.constant 16 : i32
          %parallel_loop3A_103 = arith.addi %parallel_loop3A_101, %parallel_loop3A_102 : i32
          %parallel_loop3A_104 = arith.index_cast %parallel_loop3A_103 : i32 to index
          %parallel_loop3A_105 = tpu.vector_load %arg8[%parallel_loop3A_104] {strides = array<i32>} : memref<32768xf32, #tpu.memory_space<vmem>>, vector<16xf32>,
          tpu.vector_store %arg8[%parallel_loop3A_104], %parallel_loop3A_81 {strides = array<i32>} : memref<32768xf32, #tpu.memory_space<vmem>>, vector<16xf32>,
          %parallel_loop3A_106 = arith.constant 128 : i32
          %parallel_loop3A_107 = arith.muli %parallel_loop3A_69, %parallel_loop3A_106 : i32
          %parallel_loop3A_108 = arith.constant 32 : i32
          %parallel_loop3A_109 = arith.addi %parallel_loop3A_107, %parallel_loop3A_108 : i32
          %parallel_loop3A_110 = arith.index_cast %parallel_loop3A_109 : i32 to index
          %parallel_loop3A_111 = tpu.vector_load %arg8[%parallel_loop3A_110] {strides = array<i32>} : memref<32768xf32, #tpu.memory_space<vmem>>, vector<16xf32>,
          tpu.vector_store %arg8[%parallel_loop3A_110], %parallel_loop3A_83 {strides = array<i32>} : memref<32768xf32, #tpu.memory_space<vmem>>, vector<16xf32>,
          %parallel_loop3A_112 = arith.constant 128 : i32
          %parallel_loop3A_113 = arith.muli %parallel_loop3A_69, %parallel_loop3A_112 : i32
          %parallel_loop3A_114 = arith.constant 48 : i32
          %parallel_loop3A_115 = arith.addi %parallel_loop3A_113, %parallel_loop3A_114 : i32
          %parallel_loop3A_116 = arith.index_cast %parallel_loop3A_115 : i32 to index
          %parallel_loop3A_117 = tpu.vector_load %arg8[%parallel_loop3A_116] {strides = array<i32>} : memref<32768xf32, #tpu.memory_space<vmem>>, vector<16xf32>,
          tpu.vector_store %arg8[%parallel_loop3A_116], %parallel_loop3A_85 {strides = array<i32>} : memref<32768xf32, #tpu.memory_space<vmem>>, vector<16xf32>,
          %parallel_loop3A_118 = arith.constant 128 : i32
          %parallel_loop3A_119 = arith.muli %parallel_loop3A_69, %parallel_loop3A_118 : i32
          %parallel_loop3A_120 = arith.constant 64 : i32
          %parallel_loop3A_121 = arith.addi %parallel_loop3A_119, %parallel_loop3A_120 : i32
          %parallel_loop3A_122 = arith.index_cast %parallel_loop3A_121 : i32 to index
          %parallel_loop3A_123 = tpu.vector_load %arg8[%parallel_loop3A_122] {strides = array<i32>} : memref<32768xf32, #tpu.memory_space<vmem>>, vector<16xf32>,
          tpu.vector_store %arg8[%parallel_loop3A_122], %parallel_loop3A_87 {strides = array<i32>} : memref<32768xf32, #tpu.memory_space<vmem>>, vector<16xf32>,
          %parallel_loop3A_124 = arith.constant 128 : i32
          %parallel_loop3A_125 = arith.muli %parallel_loop3A_69, %parallel_loop3A_124 : i32
          %parallel_loop3A_126 = arith.constant 80 : i32
          %parallel_loop3A_127 = arith.addi %parallel_loop3A_125, %parallel_loop3A_126 : i32
          %parallel_loop3A_128 = arith.index_cast %parallel_loop3A_127 : i32 to index
          %parallel_loop3A_129 = tpu.vector_load %arg8[%parallel_loop3A_128] {strides = array<i32>} : memref<32768xf32, #tpu.memory_space<vmem>>, vector<16xf32>,
          tpu.vector_store %arg8[%parallel_loop3A_128], %parallel_loop3A_89 {strides = array<i32>} : memref<32768xf32, #tpu.memory_space<vmem>>, vector<16xf32>,
          %parallel_loop3A_130 = arith.constant 128 : i32
          %parallel_loop3A_131 = arith.muli %parallel_loop3A_69, %parallel_loop3A_130 : i32
          %parallel_loop3A_132 = arith.constant 96 : i32
          %parallel_loop3A_133 = arith.addi %parallel_loop3A_131, %parallel_loop3A_132 : i32
          %parallel_loop3A_134 = arith.index_cast %parallel_loop3A_133 : i32 to index
          %parallel_loop3A_135 = tpu.vector_load %arg8[%parallel_loop3A_134] {strides = array<i32>} : memref<32768xf32, #tpu.memory_space<vmem>>, vector<16xf32>,
          tpu.vector_store %arg8[%parallel_loop3A_134], %parallel_loop3A_91 {strides = array<i32>} : memref<32768xf32, #tpu.memory_space<vmem>>, vector<16xf32>,
          %parallel_loop3A_136 = arith.constant 128 : i32
          %parallel_loop3A_137 = arith.muli %parallel_loop3A_69, %parallel_loop3A_136 : i32
          %parallel_loop3A_138 = arith.constant 112 : i32
          %parallel_loop3A_139 = arith.addi %parallel_loop3A_137, %parallel_loop3A_138 : i32
          %parallel_loop3A_140 = arith.index_cast %parallel_loop3A_139 : i32 to index
          %parallel_loop3A_141 = tpu.vector_load %arg8[%parallel_loop3A_140] {strides = array<i32>} : memref<32768xf32, #tpu.memory_space<vmem>>, vector<16xf32>,
          tpu.vector_store %arg8[%parallel_loop3A_140], %parallel_loop3A_93 {strides = array<i32>} : memref<32768xf32, #tpu.memory_space<vmem>>, vector<16xf32>,
        } {sc.loop_unroll_factor = 4 : i64, sc.parallel_access}
        %mul3A_62 = arith.constant 256 : i32
        %mul3A_63 = arith.muli %scan3A_45, %mul3A_62 : i32
        %add3A_64 = arith.addi %mul3A_2, %mul3A_63 : i32
        %mul3A_65 = arith.constant 128 : i32
        %mul3A_66 = arith.muli %add3A_64, %mul3A_65 : i32
        %dma_start3A_67 = tpu.memref_slice %arg4[%mul3A_66] : memref<104857600xf32, #tpu.memory_space<hbm>> -> memref<32768xf32, #tpu.memory_space<hbm>>
        %dma_start3A_68 = tpu.memref_slice %arg4[%mul3A_66] : memref<104857600xf32, #tpu.memory_space<hbm>> -> memref<32768xf32, #tpu.memory_space<hbm>>
        tpu.enqueue_dma source(%arg8 : memref<32768xf32, #tpu.memory_space<vmem>>) target(%dma_start3A_68 : memref<32768xf32, #tpu.memory_space<hbm>>) target_semaphore(%arg10 : memref<!tpu.dma_semaphore, #tpu.memory_space<semaphore_mem>>)
      } else {
      }
    }
    %scan3A_32 = arith.constant 100 : i32
    %add3A_33 = arith.constant 25088 : i32
    %add3A_34 = arith.addi %mul3A_2, %add3A_33 : i32
    %mul3A_35 = arith.constant 128 : i32
    %mul3A_36 = arith.muli %add3A_34, %mul3A_35 : i32
    %dma_wait3A_37 = tpu.memref_slice %arg4[%mul3A_36] : memref<104857600xf32, #tpu.memory_space<hbm>> -> memref<32768xf32, #tpu.memory_space<hbm>>
    %dma_wait3A_38 = tpu.memref_slice %arg4[%mul3A_36] : memref<104857600xf32, #tpu.memory_space<hbm>> -> memref<32768xf32, #tpu.memory_space<hbm>>
    tpu.wait_dma2 semaphore(%arg9 : memref<!tpu.dma_semaphore, #tpu.memory_space<semaphore_mem>>) src(%arg7 : memref<32768xf32, #tpu.memory_space<vmem>>) dst(%dma_wait3A_38 : memref<32768xf32, #tpu.memory_space<hbm>>)
    %add3A_39 = arith.constant 25344 : i32
    %add3A_40 = arith.addi %mul3A_2, %add3A_39 : i32
    %mul3A_41 = arith.constant 128 : i32
    %mul3A_42 = arith.muli %add3A_40, %mul3A_41 : i32
    %dma_wait3A_43 = tpu.memref_slice %arg4[%mul3A_42] : memref<104857600xf32, #tpu.memory_space<hbm>> -> memref<32768xf32, #tpu.memory_space<hbm>>
    %dma_wait3A_44 = tpu.memref_slice %arg4[%mul3A_42] : memref<104857600xf32, #tpu.memory_space<hbm>> -> memref<32768xf32, #tpu.memory_space<hbm>>
    tpu.wait_dma2 semaphore(%arg10 : memref<!tpu.dma_semaphore, #tpu.memory_space<semaphore_mem>>) src(%arg8 : memref<32768xf32, #tpu.memory_space<vmem>>) dst(%dma_wait3A_44 : memref<32768xf32, #tpu.memory_space<hbm>>)
    return
  }
}

module attributes {stable_mosaic.version = 14 : i64} {
  func.func @_table_body(%arg0: memref<100x128xf32, #tpu.memory_space<vmem>>, %arg1: memref<100x16xf32, #tpu.memory_space<vmem>>, %arg2: memref<1xf32, #tpu.memory_space<smem>>, %arg3: memref<1xf32, #tpu.memory_space<smem>>, %arg4: memref<128x144xf32, #tpu.memory_space<vmem>>, %arg5: memref<128xf32, #tpu.memory_space<vmem>>, %arg6: memref<100x128xf32, #tpu.memory_space<vmem>>) attributes {dimension_semantics = [], scalar_prefetch = 0 : i64, scratch_operands = 0 : i64, tpu.core_type = #tpu.core_type<tc>} {
    %get3A = arith.constant 0 : index
    %get3A_0 = arith.constant 0 : index
    %get3A_1 = vector.load %arg0[%get3A, %get3A_0] : memref<100x128xf32, #tpu.memory_space<vmem>>, vector<100x128xf32>
    %get3A_2 = arith.constant 0 : index
    %get3A_3 = memref.load %arg2[%get3A_2] : memref<1xf32, #tpu.memory_space<smem>>
    %mul3A = vector.broadcast %get3A_3 : f32 to vector<100x128xf32>
    %mul3A_4 = arith.mulf %get3A_1, %mul3A : vector<100x128xf32>
    %get3A_5 = arith.constant 0 : index
    %get3A_6 = arith.constant 0 : index
    %get3A_7 = vector.load %arg1[%get3A_5, %get3A_6] : memref<100x16xf32, #tpu.memory_space<vmem>>, vector<100x16xf32>
    %get3A_8 = arith.constant 0 : index
    %get3A_9 = memref.load %arg3[%get3A_8] : memref<1xf32, #tpu.memory_space<smem>>
    %mul3A_10 = vector.broadcast %get3A_9 : f32 to vector<100x16xf32>
    %mul3A_11 = arith.mulf %get3A_7, %mul3A_10 : vector<100x16xf32>
    %get3A_12 = arith.constant 0 : index
    %get3A_13 = arith.constant 0 : index
    %get3A_14 = vector.load %arg4[%get3A_12, %get3A_13] : memref<128x144xf32, #tpu.memory_space<vmem>>, vector<128x144xf32>
    %slice3A = vector.extract_strided_slice %get3A_14 {offsets = [0, 0], sizes = [128, 128], strides = [1, 1]} : vector<128x144xf32> to vector<128x128xf32>
    %slice3A_15 = vector.extract_strided_slice %get3A_14 {offsets = [0, 128], sizes = [128, 16], strides = [1, 1]} : vector<128x144xf32> to vector<128x16xf32>
    %dot_general3A = arith.constant dense<0.000000e+00> : vector<100x128xf32>
    %dot_general3A_16 = tpu.matmul %mul3A_4, %slice3A, %dot_general3A {dimension_numbers = #tpu.dot_dimension_numbers<[1], [1], [0], [0], [0, 0, 1, 0], [], []>, transpose_lhs_hint = false} : vector<100x128xf32>, vector<128x128xf32>, vector<100x128xf32> -> vector<100x128xf32>
    %dot_general3A_17 = arith.constant dense<0.000000e+00> : vector<100x128xf32>
    %dot_general3A_18 = tpu.matmul %mul3A_11, %slice3A_15, %dot_general3A_17 {dimension_numbers = #tpu.dot_dimension_numbers<[1], [1], [0], [0], [0, 0, 1, 0], [], []>, transpose_lhs_hint = false} : vector<100x16xf32>, vector<128x16xf32>, vector<100x128xf32> -> vector<100x128xf32>
    %add3A = arith.addf %dot_general3A_16, %dot_general3A_18 : vector<100x128xf32>
    %get3A_19 = arith.constant 0 : index
    %get3A_20 = vector.load %arg5[%get3A_19] : memref<128xf32, #tpu.memory_space<vmem>>, vector<128xf32>
    %broadcast_in_dim3A = vector.shape_cast %get3A_20 : vector<128xf32> to vector<1x128xf32>
    %add3A_21 = vector.broadcast %broadcast_in_dim3A : vector<1x128xf32> to vector<100x128xf32>
    %add3A_22 = arith.addf %add3A, %add3A_21 : vector<100x128xf32>
    %swap3A = arith.constant 0 : index
    %swap3A_23 = arith.constant 0 : index
    %swap3A_24 = vector.load %arg6[%swap3A, %swap3A_23] : memref<100x128xf32, #tpu.memory_space<vmem>>, vector<100x128xf32>
    tpu.vector_store %arg6[%swap3A, %swap3A_23], %add3A_22 {strides = array<i32>} : memref<100x128xf32, #tpu.memory_space<vmem>>, vector<100x128xf32>,
    return
  }
}

</mosaic_0001>

<sc_bundles>
// kernel: kernel.4.cloned.1.call-start
scs
__scs_entry_jumppad:
0x0: {  	(pc) =	sbr.rel $0x88, $3  }
0x1: {  	(tag) =	ssettag $0x0;
	lr =	simm.s32 $0x1  }
0x2: {  	[smem:$0x3F9A] =	sst lr;
	_ =	strace $0xD0000000  }
0x3: {  	_ = 	snop  }
0x4: {  	_ = 	snop  }
0x5: {  	_ = 	snop  }
0x6: {  	_ = 	snop  }
0x7: {  	_ = 	snop  }
__scs_overlays_trampoline_lowered:
0x8: {  	[smem:$0x3FA9] =	sst s0  }
0x9: {  	[smem:$0x3FAA] =	sst s1  }
0xa: {  	[smem:$0x3FAB] =	sst s2  }
0xb: {  	[smem:$0x3FAC] =	sst s3  }
0xc: {  	[smem:$0x3FAD] =	sst s4  }
0xd: {  	[smem:$0x3FAE] =	sst s5  }
0xe: {  	[smem:$0x3FAF] =	sst s6  }
0xf: {  	[smem:$0x3FB0] =	sst s7  }
0x10: {  	[smem:$0x3FB1] =	sst s8  }
0x11: {  	[smem:$0x3FB2] =	sst s9;
	s0 =	simm.s32 @!p0 $0x0  }
0x12: {  	s1 =	sld [smem:$0x3F98];
	s0 =	simm.s32 @p0 $0x1  }
0x13: {  	[smem:$0x3FB3] =	sst s0;
	s0 =	simm.s32 @!p1 $0x0  }
0x14: {  	s2 =	sld [smem:$0x3F97];
	s0 =	simm.s32 @p1 $0x1  }
0x15: {  	[smem:$0x3FB4] =	sst s0;
	s0 =	simm.s32 @!p2 $0x0  }
0x16: {  	s3 =	sld [smem:$0x3FDB];
	s0 =	simm.s32 @p2 $0x1  }
0x17: {  	s4 =	simm.s32 $0x1BF5;
	[smem:$0x3FB6] =	sst s0  }
0x18: {  	s0 =	sld [smem:$0x3F99];
	_ =	swait.ge [sflag:s4], $0x0  }
0x19: {  	s7 =	sld [smem:$0x3F9A]  }
0x1a: {  	s8 =	sadd.s32 $0xFFFFE003, lr  }
0x1b: {  	s9 =	sadd.s32 $0xFFFFFEF7, lr;
	s5 =	simm.s32 $0xFFFFFFFF;
	p2 =	slt.u32 s8, $0xFFFFF086  }
0x1c: {  	p1 =	slt.u32 s9, $0xF7A;
	s5 =	simm.s32 @!p2 $0x0  }
0x1d: {  	s5 =	simm.s32 @p1 $0x1;
	p0 =	seq.s32 s7, s2  }
0x1e: {  	s7 =	smul.u32 @!p0 $0xF7A, s2;
	p2 =	seq.s32 @!p0 s5, $0x0  }
0x1f: {  	s9 =	smul.u32 $0xF7A, s1;
	s8 =	simm.s32 @!p0 $0x1BF5;
	p2 =	por !p2, p0  }
0x20: {  	[sflag:s8] =	ssyncset.s32 @!p0 $0xFFFFF086;
	s6 =	sadd.s32 @!p0 s3, s7;
	s7 =	simm.s32 @!p0 $0x108  }
0x21: {  	s3 =	sadd.s32 s3, s9;
	s6 =	sadd.s32 @!p0 $0x88, s6;
	s7 =	simm.s32 @p2 $0x1082  }
0x22: {  	[simem:s7], [sflag:s8] =	dma.local @!p0 [hbm:s6], $0xF7A  }
0x23: {  	s9 =	sor.u32 $0xD0000000, s2;
	s6 =	simm.s32 $0x108;
	_ =	swait.ge @!p0 [sflag:s8], $0x0  }
0x24: {  	s3 =	sadd.s32 $0x88, s3;
	s6 =	simm.s32 @!p1 $0x1082;
	[sflag:s4] =	ssyncset.s32 $0xFFFFF086  }
0x25: {  	[simem:s6], [sflag:s4] =	dma.local [hbm:s3], $0xF7A  }
0x26: {  	[smem:$0x3F9A] =	sst s1;
	(tag) =	ssettag s2;
	_ =	strace s9  }
0x27: {  	s1 =	sld [smem:$0x3FAA]  }
0x28: {  	s2 =	sld [smem:$0x3FAB]  }
0x29: {  	s4 =	sld [smem:$0x3FAD]  }
0x2a: {  	p0 =	seq.s32 s5, $0x0;
	s5 =	sld [smem:$0x3FAE]  }
0x2b: {  	s6 =	sld [smem:$0x3FAF]  }
0x2c: {  	s7 =	sld [smem:$0x3FB0]  }
0x2d: {  	s3 =	simm.s32 $0x108;
	s8 =	sld [smem:$0x3FB1]  }
0x2e: {  	s3 =	simm.s32 @!p0 $0x1082;
	s9 =	sld [smem:$0x3FB2]  }
0x2f: {  	lr =	sadd.s32 s0, s3;
	s0 =	sld [smem:$0x3FA9]  }
0x30: {  	s3 =	sld [smem:$0x3FAC]  }
0x31: {  	[smem:$0x3FB5] =	sst s10  }
0x32: {  	s10 =	sld [smem:$0x3FB3];
	_ =	sdelay $0x3  }
0x33: {  	p0 =	seq.s32 s10, $0x1;
	s10 =	sld [smem:$0x3FB5];
	_ =	sdelay $0x3  }
0x34: {  	[smem:$0x3FB5] =	sst s10  }
0x35: {  	s10 =	sld [smem:$0x3FB4];
	_ =	sdelay $0x3  }
0x36: {  	p1 =	seq.s32 s10, $0x1;
	s10 =	sld [smem:$0x3FB5];
	_ =	sdelay $0x3  }
0x37: {  	[smem:$0x3FB5] =	sst s10  }
0x38: {  	s10 =	sld [smem:$0x3FB6]  }
0x39: {  	_ = 	snop;
	(pc) =	sbr.ind lr, $3  }
0x3a: {  	_ = 	snop  }
0x3b: {  	_ = 	snop  }
0x3c: {  	p2 =	seq.s32 s10, $0x1;
	s10 =	sld [smem:$0x3FB5]  }
0x3d: {  	_ =	shalt  }
0x3e: {  	_ =	shalt  }
0x3f: {  	_ =	shalt  }
0x40: {  	_ =	shalt  }
0x41: {  	_ =	shalt  }
0x42: {  	_ =	shalt  }
0x43: {  	_ =	shalt  }
0x44: {  	_ =	shalt  }
0x45: {  	_ =	shalt  }
0x46: {  	_ =	shalt  }
0x47: {  	_ =	shalt  }
0x48: {  	_ =	shalt  }
0x49: {  	_ =	shalt  }
0x4a: {  	_ =	shalt  }
0x4b: {  	_ =	shalt  }
0x4c: {  	_ =	shalt  }
0x4d: {  	_ =	shalt  }
0x4e: {  	_ =	shalt  }
0x4f: {  	_ =	shalt  }
0x50: {  	_ =	shalt  }
0x51: {  	_ =	shalt  }
0x52: {  	_ =	shalt  }
0x53: {  	_ =	shalt  }
0x54: {  	_ =	shalt  }
0x55: {  	_ =	shalt  }
0x56: {  	_ =	shalt  }
0x57: {  	_ =	shalt  }
0x58: {  	_ =	shalt  }
0x59: {  	_ =	shalt  }
0x5a: {  	_ =	shalt  }
0x5b: {  	_ =	shalt  }
0x5c: {  	_ =	shalt  }
0x5d: {  	_ =	shalt  }
0x5e: {  	_ =	shalt  }
0x5f: {  	_ =	shalt  }
0x60: {  	_ =	shalt  }
0x61: {  	_ =	shalt  }
0x62: {  	_ =	shalt  }
0x63: {  	_ =	shalt  }
0x64: {  	_ =	shalt  }
0x65: {  	_ =	shalt  }
0x66: {  	_ =	shalt  }
0x67: {  	_ =	shalt  }
0x68: {  	_ =	shalt  }
0x69: {  	_ =	shalt  }
0x6a: {  	_ =	shalt  }
0x6b: {  	_ =	shalt  }
0x6c: {  	_ =	shalt  }
0x6d: {  	_ =	shalt  }
0x6e: {  	_ =	shalt  }
0x6f: {  	_ =	shalt  }
0x70: {  	_ =	shalt  }
0x71: {  	_ =	shalt  }
0x72: {  	_ =	shalt  }
0x73: {  	_ =	shalt  }
0x74: {  	_ =	shalt  }
0x75: {  	_ =	shalt  }
0x76: {  	_ =	shalt  }
0x77: {  	_ =	shalt  }
0x78: {  	_ =	shalt  }
0x79: {  	_ =	shalt  }
0x7a: {  	_ =	shalt  }
0x7b: {  	_ =	shalt  }
0x7c: {  	_ =	shalt  }
0x7d: {  	_ =	shalt  }
0x7e: {  	_ =	shalt  }
0x7f: {  	_ =	shalt  }
0x80: {  	_ =	shalt  }
0x81: {  	_ =	shalt  }
0x82: {  	_ =	shalt  }
0x83: {  	_ =	shalt  }
0x84: {  	_ =	shalt  }
0x85: {  	_ =	shalt  }
0x86: {  	_ =	shalt  }
0x87: {  	_ =	shalt  }
.Lfunc_end0:
.L_simem_size_0:
called_computation_lowered:
.L_overlay_start_0:
0x88: {  	s2 =	sld [smem:$0x3FD9]  }
0x89: {  	s3 =	sld [smem:$0x3FFE];
	_ =	sdelay $0x1  }
0x8a: {  	s1 =	srdreg.scid  }
0x8b: {  	s0 =	sand.u32 $0x1, s1  }
0x8c: {  	s17 =	sshll.u32 s0, $0xA;
	s2 =	sadd.s32 s3, s2  }
0x8d: {  	s2 =	sadd.s32 s2, s17  }
0x8e: {  	[smem:$0x3FC1] =	sst s2  }
0x8f: {  	_ = 	snop  }
0x90: {  	s2 =	sld [smem:$0x3FD0];
	(tm) =	ssettm $0x1  }
0x91: {  	s18 =	sld [smem:$0x3FFB];
	_ =	sdelay $0x3  }
0x92: {  	_ =	strace s18  }
0x93: {  	s3 =	sld [smem:$0x3FFC];
	_ =	sdelay $0x3  }
0x94: {  	_ =	strace s3  }
0x95: {  	s3 =	sld [smem:$0x3FFD];
	_ =	sdelay $0x3  }
0x96: {  	_ =	strace s3  }
0x97: {  	_ =	strace $0x8FFFFFFF  }
0x98: {  	s19 =	sld [smem:$0x3FDB];
	_ =	sdelay $0x1  }
0x99: {  	s4 =	simm.s32 $_scs_section_size  }
0x9a: {  	s5 =	simm.s32 $_size__tile_overlayer_lowered;
	s6 =	simm.s32 $_tile_overlayer_lowered  }
0x9b: {  	s22 =	simm.s32 $0x1BFF;
	s21 =	sshll.u32 s6, $0x1;
	s3 =	sadd.s32 s4, s19  }
0x9c: {  	s7 =	simm.s32 $0x0;
	s20 =	sshll.u32 s5, $0x1;
	s5 =	sadd.s32 s21, s3  }
0x9d: {  	[timem:s7], [sflag:s22] =	dma.local [hbm:s5], s20  }
0x9e: {  	_ =	swait.ge [sflag:s22], s20  }
0x9f: {  	s4 =	ssub.s32 $0x0, s20;
	[sflag:s22] =	ssyncset.done $0x0  }
0xa0: {  	[sflag:s22] =	ssyncadd.s32 s4;
	_ =	sdelay $0x1  }
0xa1: {  	s23 =	simm.s32 $0x1B8B  }
0xa2: {  	_ =	swait.ge [sflag:s23], $0x1  }
0xa3: {  	[sflag:s23] =	ssyncset.done $0x0  }
0xa4: {  	s25 =	simm.s32 $0x1B8E;
	s24 =	sld [smem:$0x3FFE];
	[sflag:s23] =	ssyncadd.s32 $0xFFFFFFFF  }
0xa5: {  	s26 =	simm.s32 $execute0_lowered;
	[smem:$0x3FD2] =	sst s25  }
0xa6: {  	s5 =	sshll.u32 s26, $0x1;
	_ =	strace $0x80000046;
	[dreg:$0x1] =	wrdreg $0xFFFFFFFF  }
0xa7: {  	s28 =	simm.s32 $_size_execute0_lowered;
	s3 =	sadd.s32 s3, s5;
	[dreg:$0x0] =	wrdreg $0x0  }
0xa8: {  	s5 =	sshll.u32 s28, $0x1;
	[dreg:$0x2] =	wrdreg s3  }
0xa9: {  	[dreg:$0x3] =	wrdreg s5  }
0xaa: {  	[dreg:$0x4] =	wrdreg $0xC0  }
0xab: {  	_ =	task [dreg:s7], $0x5FFFF  }
0xac: {  	[dreg:$0x1] =	wrdreg $0xFFFFFFFF  }
0xad: {  	[dreg:$0x0] =	wrdreg $0x60  }
0xae: {  	[dreg:$0x2] =	wrdreg s24  }
0xaf: {  	[dreg:$0x3] =	wrdreg s2  }
0xb0: {  	[dreg:$0x4] =	wrdreg $0x9  }
0xb1: {  	_ =	task.clear_ibuf [dreg:s7], $0x5FFFF;
	_ =	strace $0x90000046  }
0xb2: {  	s29 =	simm.s32 $0x9;
	_ =	strace $0x80000048  }
0xb3: {  	_ =	swait.ge [sflag:s29], $0x1  }
0xb4: {  	[sflag:s29] =	ssyncadd.s32 $0xFFFFFFFF  }
0xb5: {  	_ =	strace $0x90000048  }
0xb6: {  	_ =	sfence  }
0xb7: {  	s30 =	sld [smem:$0x0];
	_ =	sdelay $0x2  }
0xb8: {  	s31 =	sshll.u32 s1, $0xD;
	s1 =	sshrl.u32 s1, $0x2  }
0xb9: {  	s3 =	sand.u32 $0x4000, s31;
	s1 =	sadd.s32 s1, s30  }
0xba: {  	s0 =	sor.u32 s3, s0;
	s1 =	sshll.u32 s1, $0x11  }
0xbb: {  	s0 =	sor.u32 s1, s0  }
0xbc: {  	s0 =	sadd.s32 $0x8F2B, s0  }
0xbd: {  	[sflag:s0] =	ssyncadd.remote.s32 $0x1  }
0xbe: {  	_ =	sfence.sel $0xFFFF  }
0xbf: {  	[dreg:$0x0] =	wrdreg $0xFFFFFFFF;
	(pc) =	sbr.abs _section_cstart, $3  }
0xc0: {  	[dreg:$0x1] =	wrdreg $0xFFFFFFFF  }
0xc1: {  	_ =	task.clear_ibuf [dreg:s7], $0x2FFFF;
	_ =	strace $0x9FFFFFFF  }
0xc2: {  	(tm) =	ssettm $0x7FFFFFFF  }
0xc3: {  	_ =	shalt  }
tec
execute0_lowered:
.L_overlay_start_1:
0x0: {  	(tag) =	ssettag $0x1  }
0x1: {  	s5 =	rddreg [dreg:$0x0]  }
0x2: {  	s1 =	srdreg.scid;
	s0 =	stileid.u32  }
0x3: {  	s2 =	rddreg [dreg:$0x1];
	s3 =	simm.s32 $0x0;
	s10 =	simm.s32 $0x2  }
0x4: {  	s11 =	simm.s32 $0x11600;
	s12 =	simm.s32 $0x9600;
	s13 =	simm.s32 $0x0  }
0x5: {  	s4 =	sand.u32 $0x1, s1;
	s6 =	sshll.u32 s0, $0x1;
	s1 =	rddreg [dreg:$0x2]  }
.Ltmp0:
0x6: {  	[smem:$0x7FF] =	sst s3;
	s6 =	sor.u32 s4, s6;
	(pc) =	sbr.rel .LBB2_1-.Ltmp0, $4  }
0x7: {  	v0 =	vlaneseq.u32;
	s8 =	ssub.s32 $0x2, s4;
	_ =	strace $0x80000047;
	s7 =	smul.u32 $0xC80, s6  }
0x8: {  	v1 =	vor.u32 $0x10, v0;
	s4 =	sadd.s32 $0x19A00, s5;
	s9 =	sshrl.u32 s8, $0x1;
	s6 =	smul.u32 $0x320000, s6  }
0x9: {  	v2 =	vor.u32 $0x20, v0;
	v3 =	vor.u32 $0x30, v0;
	v4 =	vor.u32 $0x40, v0;
	s31 =	ssub.s32 s8, s9;
	s8 =	simm.s32 $0x3200;
	s5 =	sadd.s32 s7, s5  }
0xa: {  	v5 =	vor.u32 $0x50, v0;
	v6 =	vor.u32 $0x60, v0;
	v7 =	vor.u32 $0x70, v0;
	s9 =	simm.s32 $0x1;
	s7 =	smax.u32 s31, $0x1;
	s5 =	sadd.s32 $0xA00, s5  }
.LBB2_10:
0xb: {  	s13 =	sadd.s32 $0x1, s13  }
0xc: {  	_ =	swait.ge [sflag:s9], $0x8000;
	p0 =	sne.s32 s13, s7  }
.Ltmp1:
0xd: {  	[sflag:s9] =	ssyncset.done $0x0;
	(pc) =	sbr.rel @!p0 .LBB2_11-.Ltmp1, $4  }
0xe: {  	[sflag:s9] =	ssyncadd.s32 $0xFFFF8000  }
0xf: {  	_ =	swait.ge [sflag:s10], $0x8000  }
0x10: {  	[sflag:s10] =	ssyncset.done $0x0  }
0x11: {  	[sflag:s10] =	ssyncadd.s32 $0xFFFF8000  }
.LBB2_1:
0x12: {  	[tilespmem:s3], [sflag:$0x1] =	stream.linear.gather [hbm4b:s4+s3], $0x3200, $0x38;
	[tilespmem:$0x19600] =	vst v63  }
0x13: {  	_ = 	snop  }
0x14: {  	[tilespmem:s8], [sflag:$0x2] =	stream.linear.gather [hbm4b:s5+s3], $0x6400, $0x38;
	[tilespmem:$0x19600] =	vst v63  }
0x15: {  	_ =	swait.ge [sflag:s9], $0x3200  }
.Ltmp2:
0x16: {  	[sflag:s9] =	ssyncset.done $0x0;
	(pc) =	sbr.rel .LBB2_2-.Ltmp2, $4  }
0x17: {  	[sflag:s9] =	ssyncadd.s32 $0xFFFFCE00  }
0x18: {  	_ =	swait.ge [sflag:s10], $0x6400  }
0x19: {  	[sflag:s10] =	ssyncset.done $0x0  }
0x1a: {  	s14 =	simm.s32 $0x0;
	s15 =	simm.s32 $0x0;
	[sflag:s10] =	ssyncadd.s32 $0xFFFF9C00  }
.LBB2_5:
0x1b: {  	_ =	sdelay $0x2  }
0x1c: {  	[tilespmem:s16+$0xFFFFFF70] =	vst v12  }
0x1d: {  	v36 =	vld.idx.msk [tilespmem:v36+s3+$0x0], $0xffff;
	[tilespmem:s16+$0x90] =	vst v17  }
0x1e: {  	v50 =	vld.idx.msk [tilespmem:v35+s3+$0x0], $0xffff;
	[tilespmem:s16+$0xFFFFFFA0] =	vst v8  }
0x1f: {  	v51 =	vld.idx.msk [tilespmem:v32+s3+$0x0], $0xffff;
	[tilespmem:s17+$0x70] =	vst v31  }
0x20: {  	v8 =	vld.idx.msk [tilespmem:v34+s3+$0x0], $0xffff;
	[tilespmem:s17+$0x60] =	vst v28  }
0x21: {  	v53 =	vld.idx.msk [tilespmem:v33+s3+$0x0], $0xffff;
	[tilespmem:s17+$0x40] =	vst v26  }
0x22: {  	v52 =	vor.u32 v1, v18;
	v27 =	vld.idx.msk [tilespmem:v27+s3+$0x0], $0xffff;
	[tilespmem:s17+$0x0] =	vst v20  }
0x23: {  	v54 =	vor.u32 v5, v18;
	v55 =	vld.idx.msk [tilespmem:v30+s3+$0x0], $0xffff;
	[tilespmem:s17+$0x20] =	vst v23  }
0x24: {  	v56 =	vor.u32 v1, v10;
	v25 =	vld.idx.msk [tilespmem:v25+s3+$0x0], $0xffff;
	[tilespmem:s17+$0x30] =	vst v22  }
0x25: {  	v57 =	vor.u32 v6, v10;
	v58 =	vld.idx.msk [tilespmem:v29+s3+$0x0], $0xffff;
	[tilespmem:s17+$0x10] =	vst v19  }
0x26: {  	v59 =	vor.u32 v2, v10;
	[tilespmem:s17+$0x50] =	vst v21;
	v14 =	vld.idx.msk [tilespmem:v14+s3+$0x0], $0xffff  }
0x27: {  	v61 =	vor.u32 v5, v10;
	[tilespmem:s17+$0xFFFFFF20] =	vst v16;
	v60 =	vld.idx.msk [tilespmem:v52+s3+$0x0], $0xffff  }
0x28: {  	v62 =	vor.u32 v4, v10;
	[tilespmem:s17+$0xFFFFFF10] =	vst v11;
	v18 =	vld.idx.msk [tilespmem:v54+s3+$0x0], $0xffff  }
0x29: {  	v63 =	vor.u32 v3, v10;
	[tilespmem:s17+$0xFFFFFF30] =	vst v15;
	v20 =	vld.idx.msk [tilespmem:v56+s3+$0x0], $0xffff  }
0x2a: {  	[tilespmem:s17+$0xFFFFFFF0] =	vst v24;
	v23 =	vld.idx.msk [tilespmem:v57+s3+$0x0], $0xffff  }
0x2b: {  	[tilespmem:s17+$0xFFFFFFE0] =	vst v27;
	v22 =	vld.idx.msk [tilespmem:v59+s3+$0x0], $0xffff  }
0x2c: {  	[tilespmem:s17+$0xFFFFFFC0] =	vst v58;
	v19 =	vld.idx.msk [tilespmem:v61+s3+$0x0], $0xffff  }
0x2d: {  	[tilespmem:s17+$0xFFFFFF80] =	vst v55;
	v21 =	vld.idx.msk [tilespmem:v62+s3+$0x0], $0xffff  }
0x2e: {  	v10 =	vld.idx.msk [tilespmem:v63+s3+$0x0], $0xffff;
	[tilespmem:s17+$0x80] =	vst v13  }
0x2f: {  	[tilespmem:s17+$0xFFFFFF60] =	vst v51  }
0x30: {  	[tilespmem:s17+$0xFFFFFFB0] =	vst v25  }
0x31: {  	[tilespmem:s17+$0xFFFFFF50] =	vst v50  }
0x32: {  	[tilespmem:s17+$0xFFFFFF40] =	vst v36  }
0x33: {  	[tilespmem:s17+$0xFFFFFF00] =	vst v14  }
0x34: {  	[tilespmem:s17+$0xF0] =	vst v9  }
0x35: {  	[tilespmem:s17+$0xFFFFFF70] =	vst v8  }
0x36: {  	[tilespmem:s17+$0xFFFFFFA0] =	vst v53  }
0x37: {  	[tilespmem:s17+$0xFFFFFF90] =	vst v60  }
0x38: {  	[tilespmem:s17+$0xFFFFFFD0] =	vst v18  }
0x39: {  	[tilespmem:s17+$0xD0] =	vst v19  }
0x3a: {  	[tilespmem:s17+$0xE0] =	vst v23  }
0x3b: {  	s31 =	sshll.u32 s15, $0xF;
	[tilespmem:s17+$0xA0] =	vst v22  }
0x3c: {  	s16 =	sadd.s32 s6, s31;
	[tilespmem:s17+$0xC0] =	vst v21  }
0x3d: {  	s16 =	sshrl.u32 s16, $0x3;
	[tilespmem:s17+$0xB0] =	vst v10  }
0x3e: {  	s16 =	sadd.s32 s2, s16;
	[tilespmem:s17+$0x90] =	vst v20  }
0x3f: {  	[hbm4b:s16+s3] =	stream.linear.scatter [tilespmem:s12], [sflag:$0x1], $0x8000, $0x38;
	[tilespmem:$0x19600] =	vst v63  }
.LBB2_9:
0x40: {  	s15 =	sadd.s32 $0x1, s15  }
0x41: {  	p0 =	sne.s32 s15, $0x64  }
.Ltmp3:
0x42: {  	_ = 	snop;
	(pc) =	sbr.rel @!p0 .LBB2_10-.Ltmp3, $2  }
0x43: {  	_ =	sdelay $0x2  }
0x44: {  	s14 =	sadd.s32 $0x100, s14  }
.LBB2_2:
0x45: {  	s16 =	sand.u32 $0x1, s15  }
0x46: {  	p1 =	seq.s32 s16, $0x1  }
.Ltmp4:
0x47: {  	_ = 	snop;
	(pc) =	sbr.rel @!p1 .LBB2_3-.Ltmp4, $4  }
0x48: {  	s16 =	sadd.s32 $0xFFFFFFFC, s14  }
0x49: {  	s17 =	sadd.s32 $0x4, s16  }
0x4a: {  	s18 =	sadd.s32 $0x6, s16;
	s31 =	sadd.s32 $0x7, s16;
	v8 =	vmov s17  }
0x4b: {  	p0 =	slt.u32 s15, $0x2;
	v9 =	vmov s18;
	v10 =	vmov s31;
	v8 =	vand.u32 $0xFFFFFFFC, v8  }
0x4c: {  	s17 =	simm.s32 @!p0 $0x2;
	v8 =	vbroadcast v8, $0x0  }
0x4d: {  	_ =	swait.ge @!p0 [sflag:s17], $0x8000  }
0x4e: {  	[sflag:s17] =	ssyncset.done @!p0 $0x0  }
0x4f: {  	v9 =	vand.u32 $0xFFFFFFFE, v9;
	[sflag:s17] =	ssyncadd.s32 @!p0 $0xFFFF8000  }
0x50: {  	v9 =	vbroadcast v9, $0x0;
	v10 =	vld.idx.msk [tilespmem:v10+s8+$0x0], $0xffff  }
0x51: {  	s16 =	sadd.s32 $0x5, s16  }
0x52: {  	v11 =	vmov s16;
	v8 =	vld.idx.msk [tilespmem:v8+s8+$0x0], $0xffff  }
0x53: {  	v11 =	vand.u32 $0xFFFFFFFD, v11  }
0x54: {  	v11 =	vbroadcast v11, $0x0  }
0x55: {  	v10 =	vshll.u32 v10, $0x7  }
0x56: {  	v9 =	vld.idx.msk [tilespmem:v9+s8+$0x0], $0xffff;
	v12 =	vor.u32 v0, v10  }
0x57: {  	v13 =	vshll.u32 v8, $0x7;
	v8 =	vor.u32 v7, v10  }
0x58: {  	v14 =	vor.u32 v1, v13  }
0x59: {  	v25 =	vor.u32 v4, v13  }
0x5a: {  	v11 =	vld.idx.msk [tilespmem:v11+s8+$0x0], $0xffff;
	v26 =	vor.u32 v5, v13  }
0x5b: {  	v9 =	vshll.u32 v9, $0x7;
	v27 =	vor.u32 v6, v13;
	v20 =	vld.idx.msk [tilespmem:v12+s3+$0x0], $0xffff  }
0x5c: {  	v17 =	vor.u32 v0, v9;
	v15 =	vld.idx.msk [tilespmem:v8+s3+$0x0], $0xffff  }
0x5d: {  	v18 =	vor.u32 v1, v9;
	v16 =	vld.idx.msk [tilespmem:v14+s3+$0x0], $0xffff  }
0x5e: {  	v19 =	vor.u32 v2, v9;
	v25 =	vld.idx.msk [tilespmem:v25+s3+$0x0], $0xffff  }
0x5f: {  	v21 =	vor.u32 v6, v9;
	v26 =	vld.idx.msk [tilespmem:v26+s3+$0x0], $0xffff  }
0x60: {  	v11 =	vshll.u32 v11, $0x7;
	v12 =	vor.u32 v3, v9;
	v27 =	vld.idx.msk [tilespmem:v27+s3+$0x0], $0xffff  }
0x61: {  	v22 =	vor.u32 v7, v11;
	v14 =	vld.idx.msk [tilespmem:v17+s3+$0x0], $0xffff  }
0x62: {  	v29 =	vor.u32 v6, v11;
	v18 =	vld.idx.msk [tilespmem:v18+s3+$0x0], $0xffff  }
0x63: {  	v30 =	vor.u32 v0, v11;
	v19 =	vld.idx.msk [tilespmem:v19+s3+$0x0], $0xffff  }
0x64: {  	v31 =	vor.u32 v3, v11;
	v21 =	vld.idx.msk [tilespmem:v21+s3+$0x0], $0xffff  }
0x65: {  	v8 =	vor.u32 v4, v9;
	v23 =	vld.idx.msk [tilespmem:v12+s3+$0x0], $0xffff  }
0x66: {  	s30 =	sadd.s32 $0x0, s14;
	v17 =	vor.u32 v5, v9;
	v22 =	vld.idx.msk [tilespmem:v22+s3+$0x0], $0xffff  }
0x67: {  	s31 =	sadd.s32 $0x4, s30;
	v9 =	vor.u32 v7, v9;
	v29 =	vld.idx.msk [tilespmem:v29+s3+$0x0], $0xffff  }
0x68: {  	s16 =	sadd.s32 $0x7, s30;
	v33 =	vmov s31;
	v32 =	vor.u32 v4, v11;
	v30 =	vld.idx.msk [tilespmem:v30+s3+$0x0], $0xffff  }
0x69: {  	s18 =	sadd.s32 $0x5, s30;
	v38 =	vmov s16;
	v33 =	vand.u32 $0xFFFFFFFC, v33;
	v31 =	vld.idx.msk [tilespmem:v31+s3+$0x0], $0xffff  }
0x6a: {  	v34 =	vmov s18;
	v33 =	vbroadcast v33, $0x0;
	v12 =	vor.u32 v2, v13;
	v24 =	vld.idx.msk [tilespmem:v8+s3+$0x0], $0xffff  }
0x6b: {  	v34 =	vand.u32 $0xFFFFFFFD, v34;
	v17 =	vld.idx.msk [tilespmem:v17+s3+$0x0], $0xffff  }
0x6c: {  	s16 =	simm.s32 $0x11700;
	v34 =	vbroadcast v34, $0x0;
	v8 =	vor.u32 v3, v13;
	v9 =	vld.idx.msk [tilespmem:v9+s3+$0x0], $0xffff  }
0x6d: {  	[tilespmem:s16+$0x60] =	vst v21;
	v21 =	vld.idx.msk [tilespmem:v32+s3+$0x0], $0xffff  }
0x6e: {  	v36 =	vor.u32 v1, v11;
	[tilespmem:s16+$0x0] =	vst v14;
	v14 =	vld.idx.msk [tilespmem:v38+s8+$0x0], $0xffff  }
0x6f: {  	[tilespmem:s16+$0x20] =	vst v19;
	v28 =	vld.idx.msk [tilespmem:v12+s3+$0x0], $0xffff;
	v12 =	vor.u32 v7, v13  }
0x70: {  	s19 =	sadd.s32 $0x6, s30;
	v19 =	vld.idx.msk [tilespmem:v33+s8+$0x0], $0xffff;
	[tilespmem:s16+$0x10] =	vst v18;
	v13 =	vor.u32 v0, v13  }
0x71: {  	v35 =	vmov s19;
	[tilespmem:s16+$0x30] =	vst v23;
	v37 =	vld.idx.msk [tilespmem:v8+s3+$0x0], $0xffff;
	v8 =	vor.u32 v2, v11  }
0x72: {  	v35 =	vand.u32 $0xFFFFFFFE, v35;
	v23 =	vld.idx.msk [tilespmem:v34+s8+$0x0], $0xffff;
	[tilespmem:s16+$0x40] =	vst v24;
	v11 =	vor.u32 v5, v11  }
0x73: {  	v18 =	vor.u32 v5, v10;
	v24 =	vld.idx.msk [tilespmem:v36+s3+$0x0], $0xffff;
	[tilespmem:s16+$0x70] =	vst v9;
	v9 =	vbroadcast v35, $0x0  }
0x74: {  	v12 =	vld.idx.msk [tilespmem:v12+s3+$0x0], $0xffff  }
0x75: {  	v53 =	vor.u32 v1, v10;
	v61 =	vld.idx.msk [tilespmem:v13+s3+$0x0], $0xffff  }
0x76: {  	v54 =	vor.u32 v6, v10;
	[tilespmem:s16+$0x50] =	vst v17;
	v8 =	vld.idx.msk [tilespmem:v8+s3+$0x0], $0xffff  }
0x77: {  	v55 =	vor.u32 v2, v10;
	v57 =	vshll.u32 v19, $0x7;
	[tilespmem:s16+$0xFFFFFF60] =	vst v27;
	v11 =	vld.idx.msk [tilespmem:v11+s3+$0x0], $0xffff  }
0x78: {  	[tilespmem:s16+$0xFFFFFF90] =	vst v24;
	v24 =	vld.idx.msk [tilespmem:v18+s3+$0x0], $0xffff;
	v18 =	vor.u32 v1, v57  }
0x79: {  	v56 =	vor.u32 v4, v10;
	[tilespmem:s16+$0xFFFFFF50] =	vst v26;
	v9 =	vld.idx.msk [tilespmem:v9+s8+$0x0], $0xffff  }
0x7a: {  	v17 =	vld.idx.msk [tilespmem:v53+s3+$0x0], $0xffff;
	v41 =	vor.u32 v2, v57;
	[tilespmem:s16+$0xFFFFFFF0] =	vst v22  }
0x7b: {  	v22 =	vor.u32 v3, v10;
	v10 =	vshll.u32 v14, $0x7;
	[tilespmem:s16+$0xFFFFFFE0] =	vst v29;
	v14 =	vld.idx.msk [tilespmem:v54+s3+$0x0], $0xffff  }
0x7c: {  	[tilespmem:s16+$0xFFFFFFC0] =	vst v21;
	v21 =	vld.idx.msk [tilespmem:v55+s3+$0x0], $0xffff;
	v29 =	vor.u32 v0, v10  }
0x7d: {  	v19 =	vor.u32 v7, v10;
	[tilespmem:s16+$0xFFFFFFD0] =	vst v11;
	v11 =	vld.idx.msk [tilespmem:v18+s3+$0x0], $0xffff;
	v18 =	vshll.u32 v23, $0x7  }
0x7e: {  	[tilespmem:s16+$0xFFFFFF80] =	vst v30;
	v30 =	vld.idx.msk [tilespmem:v56+s3+$0x0], $0xffff;
	v39 =	vor.u32 v7, v18;
	v58 =	vshll.u32 v9, $0x7  }
0x7f: {  	[tilespmem:s16+$0xFFFFFF10] =	vst v16;
	v16 =	vld.idx.msk [tilespmem:v41+s3+$0x0], $0xffff;
	v59 =	vor.u32 v0, v58  }
0x80: {  	[tilespmem:s16+$0xFFFFFF40] =	vst v25;
	v60 =	vld.idx.msk [tilespmem:v22+s3+$0x0], $0xffff;
	v22 =	vor.u32 v1, v58  }
0x81: {  	[tilespmem:s16+$0xFFFFFF20] =	vst v28;
	v13 =	vld.idx.msk [tilespmem:v29+s3+$0x0], $0xffff;
	v62 =	vor.u32 v2, v58  }
0x82: {  	[tilespmem:s16+$0xFFFFFFB0] =	vst v31;
	v9 =	vld.idx.msk [tilespmem:v19+s3+$0x0], $0xffff;
	v29 =	vor.u32 v4, v58  }
0x83: {  	[tilespmem:s16+$0xD0] =	vst v24;
	v27 =	vor.u32 v3, v58;
	v24 =	vld.idx.msk [tilespmem:v39+s3+$0x0], $0xffff  }
0x84: {  	[tilespmem:s16+$0x80] =	vst v20;
	v31 =	vor.u32 v5, v58;
	v20 =	vld.idx.msk [tilespmem:v59+s3+$0x0], $0xffff  }
0x85: {  	[tilespmem:s16+$0xFFFFFF30] =	vst v37;
	v63 =	vor.u32 v6, v58;
	v19 =	vld.idx.msk [tilespmem:v22+s3+$0x0], $0xffff  }
0x86: {  	[tilespmem:s16+$0xFFFFFF00] =	vst v61;
	v40 =	vor.u32 v7, v58;
	v23 =	vld.idx.msk [tilespmem:v62+s3+$0x0], $0xffff  }
0x87: {  	[tilespmem:s16+$0xE0] =	vst v14;
	v26 =	vld.idx.msk [tilespmem:v29+s3+$0x0], $0xffff;
	v29 =	vor.u32 v3, v57  }
0x88: {  	v36 =	vor.u32 v4, v57;
	[tilespmem:s16+$0xA0] =	vst v21;
	v22 =	vld.idx.msk [tilespmem:v27+s3+$0x0], $0xffff  }
0x89: {  	v35 =	vor.u32 v5, v57;
	v32 =	vor.u32 v6, v57;
	[tilespmem:s16+$0xC0] =	vst v30;
	v21 =	vld.idx.msk [tilespmem:v31+s3+$0x0], $0xffff  }
0x8a: {  	v34 =	vor.u32 v7, v57;
	v14 =	vor.u32 v0, v57;
	[tilespmem:s16+$0xF0] =	vst v15;
	v28 =	vld.idx.msk [tilespmem:v63+s3+$0x0], $0xffff  }
0x8b: {  	v25 =	vor.u32 v3, v18;
	v30 =	vor.u32 v0, v18;
	v33 =	vor.u32 v2, v18;
	v31 =	vld.idx.msk [tilespmem:v40+s3+$0x0], $0xffff  }
0x8c: {  	s18 =	simm.s32 $0x4;
	s19 =	simm.s32 $0x11900;
	s17 =	simm.s32 $0x11900;
	[tilespmem:s16+$0xB0] =	vst v60;
	v27 =	vor.u32 v6, v18;
	v15 =	vld.idx.msk [tilespmem:v29+s3+$0x0], $0xffff;
	v29 =	vor.u32 v4, v18  }
.LBB2_7:
0x8d: {  	s20 =	sadd.s32 s18, s14;
	s18 =	sadd.s32 $0x4, s18;
	v36 =	vld.idx.msk [tilespmem:v36+s3+$0x0], $0xffff;
	s19 =	sadd.s32 $0x200, s19;
	[tilespmem:s16+$0xFFFFFF70] =	vst v12  }
0x8e: {  	s21 =	sadd.s32 $0x4, s20;
	s22 =	sadd.s32 $0x5, s20;
	s23 =	sadd.s32 $0x6, s20;
	v35 =	vld.idx.msk [tilespmem:v35+s3+$0x0], $0xffff;
	[tilespmem:s16+$0x90] =	vst v17  }
0x8f: {  	s20 =	sadd.s32 $0x7, s20;
	p0 =	slt.u32 s18, $0xFC;
	v12 =	vmov s21;
	v17 =	vmov s22;
	v37 =	vmov s23;
	v32 =	vld.idx.msk [tilespmem:v32+s3+$0x0], $0xffff  }
0x90: {  	v38 =	vand.u32 $0xFFFFFFFC, v12;
	v17 =	vand.u32 $0xFFFFFFFD, v17;
	v37 =	vand.u32 $0xFFFFFFFE, v37;
	v12 =	vld.idx.msk [tilespmem:v34+s3+$0x0], $0xffff;
	[tilespmem:s16+$0xFFFFFFA0] =	vst v8;
	s16 =	smov.u32 s17;
	s17 =	smov.u32 s19  }
0x91: {  	v39 =	vor.u32 v1, v18;
	v34 =	vbroadcast v38, $0x0;
	v38 =	vmov s20;
	v8 =	vld.idx.msk [tilespmem:v33+s3+$0x0], $0xffff;
	[tilespmem:s16+$0x70] =	vst v31  }
0x92: {  	v17 =	vbroadcast v17, $0x0;
	v27 =	vld.idx.msk [tilespmem:v27+s3+$0x0], $0xffff;
	[tilespmem:s16+$0x60] =	vst v28  }
0x93: {  	v28 =	vbroadcast v37, $0x0;
	v30 =	vld.idx.msk [tilespmem:v30+s3+$0x0], $0xffff;
	[tilespmem:s16+$0x40] =	vst v26  }
0x94: {  	v25 =	vld.idx.msk [tilespmem:v25+s3+$0x0], $0xffff;
	[tilespmem:s16+$0x0] =	vst v20  }
0x95: {  	v20 =	vld.idx.msk [tilespmem:v29+s3+$0x0], $0xffff;
	[tilespmem:s16+$0x20] =	vst v23  }
0x96: {  	v18 =	vor.u32 v5, v18;
	v23 =	vld.idx.msk [tilespmem:v39+s3+$0x0], $0xffff;
	[tilespmem:s16+$0x30] =	vst v22  }
0x97: {  	v22 =	vld.idx.msk [tilespmem:v38+s8+$0x0], $0xffff;
	[tilespmem:s16+$0x10] =	vst v19;
	v19 =	vor.u32 v1, v10  }
0x98: {  	v29 =	vor.u32 v6, v10;
	v26 =	vld.idx.msk [tilespmem:v34+s8+$0x0], $0xffff  }
0x99: {  	v33 =	vor.u32 v2, v10;
	v31 =	vld.idx.msk [tilespmem:v17+s8+$0x0], $0xffff  }
0x9a: {  	v34 =	vor.u32 v5, v10;
	v28 =	vld.idx.msk [tilespmem:v28+s8+$0x0], $0xffff  }
0x9b: {  	v37 =	vld.idx.msk [tilespmem:v18+s3+$0x0], $0xffff;
	[tilespmem:s16+$0x50] =	vst v21;
	v21 =	vor.u32 v4, v10  }
0x9c: {  	[tilespmem:s16+$0xFFFFFFF0] =	vst v24;
	v17 =	vld.idx.msk [tilespmem:v19+s3+$0x0], $0xffff;
	v19 =	vor.u32 v3, v10  }
0x9d: {  	v10 =	vshll.u32 v22, $0x7;
	[tilespmem:s16+$0xFFFFFFE0] =	vst v27;
	v24 =	vld.idx.msk [tilespmem:v29+s3+$0x0], $0xffff  }
0x9e: {  	v29 =	vshll.u32 v26, $0x7;
	v22 =	vor.u32 v0, v10;
	[tilespmem:s16+$0xFFFFFFC0] =	vst v20;
	v33 =	vld.idx.msk [tilespmem:v33+s3+$0x0], $0xffff  }
0x9f: {  	v26 =	vor.u32 v7, v10;
	v20 =	vor.u32 v0, v29;
	[tilespmem:s16+$0xFFFFFF90] =	vst v23;
	v34 =	vld.idx.msk [tilespmem:v34+s3+$0x0], $0xffff  }
0xa0: {  	v18 =	vshll.u32 v31, $0x7;
	v23 =	vor.u32 v1, v29;
	v28 =	vshll.u32 v28, $0x7;
	[tilespmem:s16+$0xFFFFFF80] =	vst v30;
	v30 =	vld.idx.msk [tilespmem:v21+s3+$0x0], $0xffff  }
0xa1: {  	v21 =	vor.u32 v0, v28;
	[tilespmem:s16+$0xFFFFFFD0] =	vst v37;
	v37 =	vld.idx.msk [tilespmem:v19+s3+$0x0], $0xffff  }
0xa2: {  	v31 =	vor.u32 v7, v18;
	v19 =	vor.u32 v1, v28;
	v38 =	vld.idx.msk [tilespmem:v14+s3+$0x0], $0xffff;
	[tilespmem:s16+$0x80] =	vst v13;
	v14 =	vmov v20  }
0xa3: {  	v39 =	vor.u32 v2, v28;
	v13 =	vld.idx.msk [tilespmem:v22+s3+$0x0], $0xffff;
	[tilespmem:s16+$0xFFFFFF60] =	vst v32  }
0xa4: {  	v22 =	vor.u32 v3, v28;
	v40 =	vld.idx.msk [tilespmem:v26+s3+$0x0], $0xffff;
	[tilespmem:s16+$0xFFFFFFB0] =	vst v25  }
0xa5: {  	v26 =	vor.u32 v4, v28;
	v32 =	vld.idx.msk [tilespmem:v23+s3+$0x0], $0xffff;
	[tilespmem:s16+$0xFFFFFF50] =	vst v35  }
0xa6: {  	v25 =	vor.u32 v3, v18;
	v20 =	vld.idx.msk [tilespmem:v21+s3+$0x0], $0xffff;
	v21 =	vor.u32 v5, v28;
	[tilespmem:s16+$0xFFFFFF40] =	vst v36  }
0xa7: {  	v35 =	vor.u32 v6, v28;
	v19 =	vld.idx.msk [tilespmem:v19+s3+$0x0], $0xffff;
	[tilespmem:s16+$0xFFFFFF20] =	vst v16  }
0xa8: {  	v27 =	vor.u32 v6, v18;
	v23 =	vld.idx.msk [tilespmem:v39+s3+$0x0], $0xffff;
	[tilespmem:s16+$0xD0] =	vst v34  }
0xa9: {  	v16 =	vor.u32 v7, v28;
	v22 =	vld.idx.msk [tilespmem:v22+s3+$0x0], $0xffff;
	[tilespmem:s16+$0xE0] =	vst v24  }
0xaa: {  	v34 =	vor.u32 v2, v29;
	v26 =	vld.idx.msk [tilespmem:v26+s3+$0x0], $0xffff;
	[tilespmem:s16+$0xA0] =	vst v33  }
0xab: {  	v39 =	vor.u32 v3, v29;
	v21 =	vld.idx.msk [tilespmem:v21+s3+$0x0], $0xffff;
	[tilespmem:s16+$0xC0] =	vst v30  }
.Ltmp5:
0xac: {  	v36 =	vor.u32 v4, v29;
	v28 =	vld.idx.msk [tilespmem:v35+s3+$0x0], $0xffff;
	[tilespmem:s16+$0xFFFFFF10] =	vst v11;
	v11 =	vmov v32;
	(pc) =	sbr.rel @p0 .LBB2_7-.Ltmp5, $4  }
0xad: {  	v35 =	vor.u32 v5, v29;
	v24 =	vld.idx.msk [tilespmem:v31+s3+$0x0], $0xffff;
	[tilespmem:s16+$0xFFFFFF00] =	vst v38  }
0xae: {  	v32 =	vor.u32 v6, v29;
	v31 =	vld.idx.msk [tilespmem:v16+s3+$0x0], $0xffff;
	[tilespmem:s16+$0xF0] =	vst v9;
	v9 =	vmov v40  }
0xaf: {  	v30 =	vor.u32 v0, v18;
	v16 =	vld.idx.msk [tilespmem:v34+s3+$0x0], $0xffff;
	v34 =	vor.u32 v7, v29;
	[tilespmem:s16+$0xB0] =	vst v37  }
0xb0: {  	v33 =	vor.u32 v2, v18;
	v29 =	vor.u32 v4, v18;
	[tilespmem:s16+$0xFFFFFF30] =	vst v15;
	v15 =	vld.idx.msk [tilespmem:v39+s3+$0x0], $0xffff  }
0xb1: {  	_ =	sdelay $0x2  }
0xb2: {  	[tilespmem:s16+$0xFFFFFF70] =	vst v12  }
0xb3: {  	v36 =	vld.idx.msk [tilespmem:v36+s3+$0x0], $0xffff;
	[tilespmem:s16+$0x90] =	vst v17  }
0xb4: {  	v50 =	vld.idx.msk [tilespmem:v35+s3+$0x0], $0xffff;
	[tilespmem:s16+$0xFFFFFFA0] =	vst v8  }
0xb5: {  	v51 =	vld.idx.msk [tilespmem:v32+s3+$0x0], $0xffff;
	[tilespmem:s17+$0x60] =	vst v28  }
0xb6: {  	v8 =	vld.idx.msk [tilespmem:v34+s3+$0x0], $0xffff;
	[tilespmem:s17+$0x40] =	vst v26  }
0xb7: {  	v53 =	vld.idx.msk [tilespmem:v33+s3+$0x0], $0xffff;
	[tilespmem:s17+$0x0] =	vst v20  }
0xb8: {  	v52 =	vor.u32 v1, v18;
	v27 =	vld.idx.msk [tilespmem:v27+s3+$0x0], $0xffff;
	[tilespmem:s17+$0x20] =	vst v23  }
0xb9: {  	v54 =	vor.u32 v5, v18;
	v55 =	vld.idx.msk [tilespmem:v30+s3+$0x0], $0xffff;
	[tilespmem:s17+$0x30] =	vst v22  }
0xba: {  	v56 =	vor.u32 v1, v10;
	v25 =	vld.idx.msk [tilespmem:v25+s3+$0x0], $0xffff;
	[tilespmem:s17+$0x10] =	vst v19  }
0xbb: {  	v57 =	vor.u32 v6, v10;
	v58 =	vld.idx.msk [tilespmem:v29+s3+$0x0], $0xffff;
	[tilespmem:s17+$0x50] =	vst v21  }
0xbc: {  	v59 =	vor.u32 v2, v10;
	v14 =	vld.idx.msk [tilespmem:v14+s3+$0x0], $0xffff;
	[tilespmem:s17+$0xFFFFFF10] =	vst v11  }
0xbd: {  	v61 =	vor.u32 v5, v10;
	[tilespmem:s17+$0x70] =	vst v31;
	v60 =	vld.idx.msk [tilespmem:v52+s3+$0x0], $0xffff  }
0xbe: {  	v62 =	vor.u32 v4, v10;
	[tilespmem:s17+$0xFFFFFF20] =	vst v16;
	v18 =	vld.idx.msk [tilespmem:v54+s3+$0x0], $0xffff  }
0xbf: {  	v63 =	vor.u32 v3, v10;
	[tilespmem:s17+$0xFFFFFF30] =	vst v15;
	v20 =	vld.idx.msk [tilespmem:v56+s3+$0x0], $0xffff  }
0xc0: {  	[tilespmem:s17+$0xFFFFFFF0] =	vst v24;
	v23 =	vld.idx.msk [tilespmem:v57+s3+$0x0], $0xffff  }
0xc1: {  	[tilespmem:s17+$0xFFFFFFE0] =	vst v27;
	v22 =	vld.idx.msk [tilespmem:v59+s3+$0x0], $0xffff  }
0xc2: {  	[tilespmem:s17+$0xFFFFFFC0] =	vst v58;
	v19 =	vld.idx.msk [tilespmem:v61+s3+$0x0], $0xffff  }
0xc3: {  	[tilespmem:s17+$0xFFFFFF80] =	vst v55;
	v21 =	vld.idx.msk [tilespmem:v62+s3+$0x0], $0xffff  }
0xc4: {  	v10 =	vld.idx.msk [tilespmem:v63+s3+$0x0], $0xffff;
	[tilespmem:s17+$0x80] =	vst v13  }
0xc5: {  	[tilespmem:s17+$0xFFFFFF60] =	vst v51  }
0xc6: {  	[tilespmem:s17+$0xFFFFFFB0] =	vst v25  }
0xc7: {  	[tilespmem:s17+$0xFFFFFF50] =	vst v50  }
0xc8: {  	[tilespmem:s17+$0xFFFFFF40] =	vst v36  }
0xc9: {  	[tilespmem:s17+$0xFFFFFF00] =	vst v14  }
0xca: {  	[tilespmem:s17+$0xF0] =	vst v9  }
0xcb: {  	[tilespmem:s17+$0xFFFFFF70] =	vst v8  }
0xcc: {  	[tilespmem:s17+$0xFFFFFFA0] =	vst v53  }
0xcd: {  	[tilespmem:s17+$0xFFFFFF90] =	vst v60  }
0xce: {  	[tilespmem:s17+$0xFFFFFFD0] =	vst v18  }
0xcf: {  	[tilespmem:s17+$0xD0] =	vst v19  }
0xd0: {  	[tilespmem:s17+$0xE0] =	vst v23  }
.Ltmp6:
0xd1: {  	s31 =	sshll.u32 s15, $0xF;
	[tilespmem:s17+$0xA0] =	vst v22;
	(pc) =	sbr.rel .LBB2_9-.Ltmp6, $4  }
0xd2: {  	s16 =	sadd.s32 s6, s31;
	[tilespmem:s17+$0xC0] =	vst v21  }
0xd3: {  	s16 =	sshrl.u32 s16, $0x3;
	[tilespmem:s17+$0xB0] =	vst v10  }
0xd4: {  	s16 =	sadd.s32 s2, s16;
	[tilespmem:s17+$0x90] =	vst v20  }
0xd5: {  	[hbm4b:s16+s3] =	stream.linear.scatter [tilespmem:s11], [sflag:$0x2], $0x8000, $0x38;
	[tilespmem:$0x19600] =	vst v63  }
.LBB2_3:
0xd6: {  	s17 =	simm.s32 @!p0 $0x1;
	v8 =	vbroadcast v8, $0x0  }
0xd7: {  	_ =	swait.ge @!p0 [sflag:s17], $0x8000  }
0xd8: {  	[sflag:s17] =	ssyncset.done @!p0 $0x0  }
0xd9: {  	v9 =	vand.u32 $0xFFFFFFFE, v9;
	[sflag:s17] =	ssyncadd.s32 @!p0 $0xFFFF8000  }
0xda: {  	v9 =	vbroadcast v9, $0x0;
	v10 =	vld.idx.msk [tilespmem:v10+s8+$0x0], $0xffff  }
0xdb: {  	s16 =	sadd.s32 $0x5, s16  }
0xdc: {  	v11 =	vmov s16;
	v8 =	vld.idx.msk [tilespmem:v8+s8+$0x0], $0xffff  }
0xdd: {  	v11 =	vand.u32 $0xFFFFFFFD, v11  }
0xde: {  	v11 =	vbroadcast v11, $0x0  }
0xdf: {  	v10 =	vshll.u32 v10, $0x7  }
0xe0: {  	v9 =	vld.idx.msk [tilespmem:v9+s8+$0x0], $0xffff;
	v12 =	vor.u32 v0, v10  }
0xe1: {  	v13 =	vshll.u32 v8, $0x7;
	v8 =	vor.u32 v7, v10  }
0xe2: {  	v14 =	vor.u32 v1, v13  }
0xe3: {  	v25 =	vor.u32 v4, v13  }
0xe4: {  	v11 =	vld.idx.msk [tilespmem:v11+s8+$0x0], $0xffff;
	v26 =	vor.u32 v5, v13  }
0xe5: {  	v9 =	vshll.u32 v9, $0x7;
	v27 =	vor.u32 v6, v13;
	v20 =	vld.idx.msk [tilespmem:v12+s3+$0x0], $0xffff  }
0xe6: {  	v17 =	vor.u32 v0, v9;
	v15 =	vld.idx.msk [tilespmem:v8+s3+$0x0], $0xffff  }
0xe7: {  	v18 =	vor.u32 v1, v9;
	v16 =	vld.idx.msk [tilespmem:v14+s3+$0x0], $0xffff  }
0xe8: {  	v19 =	vor.u32 v2, v9;
	v25 =	vld.idx.msk [tilespmem:v25+s3+$0x0], $0xffff  }
0xe9: {  	v21 =	vor.u32 v6, v9;
	v26 =	vld.idx.msk [tilespmem:v26+s3+$0x0], $0xffff  }
0xea: {  	v11 =	vshll.u32 v11, $0x7;
	v12 =	vor.u32 v3, v9;
	v27 =	vld.idx.msk [tilespmem:v27+s3+$0x0], $0xffff  }
0xeb: {  	v22 =	vor.u32 v7, v11;
	v14 =	vld.idx.msk [tilespmem:v17+s3+$0x0], $0xffff  }
0xec: {  	v29 =	vor.u32 v6, v11;
	v18 =	vld.idx.msk [tilespmem:v18+s3+$0x0], $0xffff  }
0xed: {  	v30 =	vor.u32 v0, v11;
	v19 =	vld.idx.msk [tilespmem:v19+s3+$0x0], $0xffff  }
0xee: {  	v31 =	vor.u32 v3, v11;
	v21 =	vld.idx.msk [tilespmem:v21+s3+$0x0], $0xffff  }
0xef: {  	v8 =	vor.u32 v4, v9;
	v23 =	vld.idx.msk [tilespmem:v12+s3+$0x0], $0xffff  }
0xf0: {  	s30 =	sadd.s32 $0x0, s14;
	v17 =	vor.u32 v5, v9;
	v22 =	vld.idx.msk [tilespmem:v22+s3+$0x0], $0xffff  }
0xf1: {  	s31 =	sadd.s32 $0x4, s30;
	v9 =	vor.u32 v7, v9;
	v29 =	vld.idx.msk [tilespmem:v29+s3+$0x0], $0xffff  }
0xf2: {  	s16 =	sadd.s32 $0x7, s30;
	v33 =	vmov s31;
	v32 =	vor.u32 v4, v11;
	v30 =	vld.idx.msk [tilespmem:v30+s3+$0x0], $0xffff  }
0xf3: {  	s18 =	sadd.s32 $0x5, s30;
	v38 =	vmov s16;
	v33 =	vand.u32 $0xFFFFFFFC, v33;
	v31 =	vld.idx.msk [tilespmem:v31+s3+$0x0], $0xffff  }
0xf4: {  	v34 =	vmov s18;
	v33 =	vbroadcast v33, $0x0;
	v12 =	vor.u32 v2, v13;
	v24 =	vld.idx.msk [tilespmem:v8+s3+$0x0], $0xffff  }
0xf5: {  	v34 =	vand.u32 $0xFFFFFFFD, v34;
	v17 =	vld.idx.msk [tilespmem:v17+s3+$0x0], $0xffff  }
0xf6: {  	s16 =	simm.s32 $0x9700;
	v34 =	vbroadcast v34, $0x0;
	v8 =	vor.u32 v3, v13;
	v9 =	vld.idx.msk [tilespmem:v9+s3+$0x0], $0xffff  }
0xf7: {  	[tilespmem:s16+$0x60] =	vst v21;
	v21 =	vld.idx.msk [tilespmem:v32+s3+$0x0], $0xffff  }
0xf8: {  	v36 =	vor.u32 v1, v11;
	[tilespmem:s16+$0x0] =	vst v14;
	v14 =	vld.idx.msk [tilespmem:v38+s8+$0x0], $0xffff  }
0xf9: {  	[tilespmem:s16+$0x20] =	vst v19;
	v28 =	vld.idx.msk [tilespmem:v12+s3+$0x0], $0xffff;
	v12 =	vor.u32 v7, v13  }
0xfa: {  	s19 =	sadd.s32 $0x6, s30;
	v19 =	vld.idx.msk [tilespmem:v33+s8+$0x0], $0xffff;
	[tilespmem:s16+$0x10] =	vst v18;
	v13 =	vor.u32 v0, v13  }
0xfb: {  	v35 =	vmov s19;
	[tilespmem:s16+$0x30] =	vst v23;
	v37 =	vld.idx.msk [tilespmem:v8+s3+$0x0], $0xffff;
	v8 =	vor.u32 v2, v11  }
0xfc: {  	v35 =	vand.u32 $0xFFFFFFFE, v35;
	v23 =	vld.idx.msk [tilespmem:v34+s8+$0x0], $0xffff;
	[tilespmem:s16+$0x40] =	vst v24;
	v11 =	vor.u32 v5, v11  }
0xfd: {  	v18 =	vor.u32 v5, v10;
	v24 =	vld.idx.msk [tilespmem:v36+s3+$0x0], $0xffff;
	[tilespmem:s16+$0x70] =	vst v9;
	v9 =	vbroadcast v35, $0x0  }
0xfe: {  	v12 =	vld.idx.msk [tilespmem:v12+s3+$0x0], $0xffff  }
0xff: {  	v53 =	vor.u32 v1, v10;
	v61 =	vld.idx.msk [tilespmem:v13+s3+$0x0], $0xffff  }
0x100: {  	v54 =	vor.u32 v6, v10;
	[tilespmem:s16+$0x50] =	vst v17;
	v8 =	vld.idx.msk [tilespmem:v8+s3+$0x0], $0xffff  }
0x101: {  	v55 =	vor.u32 v2, v10;
	v57 =	vshll.u32 v19, $0x7;
	[tilespmem:s16+$0xFFFFFF60] =	vst v27;
	v11 =	vld.idx.msk [tilespmem:v11+s3+$0x0], $0xffff  }
0x102: {  	[tilespmem:s16+$0xFFFFFF90] =	vst v24;
	v24 =	vld.idx.msk [tilespmem:v18+s3+$0x0], $0xffff;
	v18 =	vor.u32 v1, v57  }
0x103: {  	v56 =	vor.u32 v4, v10;
	[tilespmem:s16+$0xFFFFFF50] =	vst v26;
	v9 =	vld.idx.msk [tilespmem:v9+s8+$0x0], $0xffff  }
0x104: {  	v17 =	vld.idx.msk [tilespmem:v53+s3+$0x0], $0xffff;
	v41 =	vor.u32 v2, v57;
	[tilespmem:s16+$0xFFFFFFF0] =	vst v22  }
0x105: {  	v22 =	vor.u32 v3, v10;
	v10 =	vshll.u32 v14, $0x7;
	[tilespmem:s16+$0xFFFFFFE0] =	vst v29;
	v14 =	vld.idx.msk [tilespmem:v54+s3+$0x0], $0xffff  }
0x106: {  	[tilespmem:s16+$0xFFFFFFC0] =	vst v21;
	v21 =	vld.idx.msk [tilespmem:v55+s3+$0x0], $0xffff;
	v29 =	vor.u32 v0, v10  }
0x107: {  	v19 =	vor.u32 v7, v10;
	[tilespmem:s16+$0xFFFFFFD0] =	vst v11;
	v11 =	vld.idx.msk [tilespmem:v18+s3+$0x0], $0xffff;
	v18 =	vshll.u32 v23, $0x7  }
0x108: {  	[tilespmem:s16+$0xFFFFFF80] =	vst v30;
	v30 =	vld.idx.msk [tilespmem:v56+s3+$0x0], $0xffff;
	v39 =	vor.u32 v7, v18;
	v58 =	vshll.u32 v9, $0x7  }
0x109: {  	[tilespmem:s16+$0xFFFFFF10] =	vst v16;
	v16 =	vld.idx.msk [tilespmem:v41+s3+$0x0], $0xffff;
	v59 =	vor.u32 v0, v58  }
0x10a: {  	[tilespmem:s16+$0xFFFFFF40] =	vst v25;
	v60 =	vld.idx.msk [tilespmem:v22+s3+$0x0], $0xffff;
	v22 =	vor.u32 v1, v58  }
0x10b: {  	[tilespmem:s16+$0xFFFFFF20] =	vst v28;
	v13 =	vld.idx.msk [tilespmem:v29+s3+$0x0], $0xffff;
	v62 =	vor.u32 v2, v58  }
0x10c: {  	[tilespmem:s16+$0xFFFFFFB0] =	vst v31;
	v9 =	vld.idx.msk [tilespmem:v19+s3+$0x0], $0xffff;
	v29 =	vor.u32 v4, v58  }
0x10d: {  	[tilespmem:s16+$0xD0] =	vst v24;
	v27 =	vor.u32 v3, v58;
	v24 =	vld.idx.msk [tilespmem:v39+s3+$0x0], $0xffff  }
0x10e: {  	[tilespmem:s16+$0x80] =	vst v20;
	v31 =	vor.u32 v5, v58;
	v20 =	vld.idx.msk [tilespmem:v59+s3+$0x0], $0xffff  }
0x10f: {  	[tilespmem:s16+$0xFFFFFF30] =	vst v37;
	v63 =	vor.u32 v6, v58;
	v19 =	vld.idx.msk [tilespmem:v22+s3+$0x0], $0xffff  }
0x110: {  	[tilespmem:s16+$0xFFFFFF00] =	vst v61;
	v40 =	vor.u32 v7, v58;
	v23 =	vld.idx.msk [tilespmem:v62+s3+$0x0], $0xffff  }
0x111: {  	[tilespmem:s16+$0xE0] =	vst v14;
	v26 =	vld.idx.msk [tilespmem:v29+s3+$0x0], $0xffff;
	v29 =	vor.u32 v3, v57  }
0x112: {  	v36 =	vor.u32 v4, v57;
	[tilespmem:s16+$0xA0] =	vst v21;
	v22 =	vld.idx.msk [tilespmem:v27+s3+$0x0], $0xffff  }
0x113: {  	v35 =	vor.u32 v5, v57;
	v32 =	vor.u32 v6, v57;
	[tilespmem:s16+$0xC0] =	vst v30;
	v21 =	vld.idx.msk [tilespmem:v31+s3+$0x0], $0xffff  }
0x114: {  	v34 =	vor.u32 v7, v57;
	v14 =	vor.u32 v0, v57;
	[tilespmem:s16+$0xF0] =	vst v15;
	v28 =	vld.idx.msk [tilespmem:v63+s3+$0x0], $0xffff  }
0x115: {  	v25 =	vor.u32 v3, v18;
	v30 =	vor.u32 v0, v18;
	v33 =	vor.u32 v2, v18;
	v31 =	vld.idx.msk [tilespmem:v40+s3+$0x0], $0xffff  }
0x116: {  	s18 =	simm.s32 $0x4;
	s19 =	simm.s32 $0x9900;
	s17 =	simm.s32 $0x9900;
	[tilespmem:s16+$0xB0] =	vst v60;
	v27 =	vor.u32 v6, v18;
	v15 =	vld.idx.msk [tilespmem:v29+s3+$0x0], $0xffff;
	v29 =	vor.u32 v4, v18  }
.LBB2_4:
0x117: {  	s20 =	sadd.s32 s18, s14;
	s18 =	sadd.s32 $0x4, s18;
	v36 =	vld.idx.msk [tilespmem:v36+s3+$0x0], $0xffff;
	s19 =	sadd.s32 $0x200, s19;
	[tilespmem:s16+$0xFFFFFF70] =	vst v12  }
0x118: {  	s21 =	sadd.s32 $0x4, s20;
	s22 =	sadd.s32 $0x5, s20;
	s23 =	sadd.s32 $0x6, s20;
	v35 =	vld.idx.msk [tilespmem:v35+s3+$0x0], $0xffff;
	[tilespmem:s16+$0x90] =	vst v17  }
0x119: {  	s20 =	sadd.s32 $0x7, s20;
	p0 =	slt.u32 s18, $0xFC;
	v12 =	vmov s21;
	v17 =	vmov s22;
	v37 =	vmov s23;
	v32 =	vld.idx.msk [tilespmem:v32+s3+$0x0], $0xffff  }
0x11a: {  	v38 =	vand.u32 $0xFFFFFFFC, v12;
	v17 =	vand.u32 $0xFFFFFFFD, v17;
	v37 =	vand.u32 $0xFFFFFFFE, v37;
	v12 =	vld.idx.msk [tilespmem:v34+s3+$0x0], $0xffff;
	[tilespmem:s16+$0xFFFFFFA0] =	vst v8;
	s16 =	smov.u32 s17;
	s17 =	smov.u32 s19  }
0x11b: {  	v39 =	vor.u32 v1, v18;
	v34 =	vbroadcast v38, $0x0;
	v38 =	vmov s20;
	v8 =	vld.idx.msk [tilespmem:v33+s3+$0x0], $0xffff;
	[tilespmem:s16+$0x70] =	vst v31  }
0x11c: {  	v17 =	vbroadcast v17, $0x0;
	v27 =	vld.idx.msk [tilespmem:v27+s3+$0x0], $0xffff;
	[tilespmem:s16+$0x60] =	vst v28  }
0x11d: {  	v28 =	vbroadcast v37, $0x0;
	v30 =	vld.idx.msk [tilespmem:v30+s3+$0x0], $0xffff;
	[tilespmem:s16+$0x40] =	vst v26  }
0x11e: {  	v25 =	vld.idx.msk [tilespmem:v25+s3+$0x0], $0xffff;
	[tilespmem:s16+$0x0] =	vst v20  }
0x11f: {  	v20 =	vld.idx.msk [tilespmem:v29+s3+$0x0], $0xffff;
	[tilespmem:s16+$0x20] =	vst v23  }
0x120: {  	v18 =	vor.u32 v5, v18;
	v23 =	vld.idx.msk [tilespmem:v39+s3+$0x0], $0xffff;
	[tilespmem:s16+$0x30] =	vst v22  }
0x121: {  	v22 =	vld.idx.msk [tilespmem:v38+s8+$0x0], $0xffff;
	[tilespmem:s16+$0x10] =	vst v19;
	v19 =	vor.u32 v1, v10  }
0x122: {  	v29 =	vor.u32 v6, v10;
	v26 =	vld.idx.msk [tilespmem:v34+s8+$0x0], $0xffff  }
0x123: {  	v33 =	vor.u32 v2, v10;
	v31 =	vld.idx.msk [tilespmem:v17+s8+$0x0], $0xffff  }
0x124: {  	v34 =	vor.u32 v5, v10;
	v28 =	vld.idx.msk [tilespmem:v28+s8+$0x0], $0xffff  }
0x125: {  	v37 =	vld.idx.msk [tilespmem:v18+s3+$0x0], $0xffff;
	[tilespmem:s16+$0x50] =	vst v21;
	v21 =	vor.u32 v4, v10  }
0x126: {  	[tilespmem:s16+$0xFFFFFFF0] =	vst v24;
	v17 =	vld.idx.msk [tilespmem:v19+s3+$0x0], $0xffff;
	v19 =	vor.u32 v3, v10  }
0x127: {  	v10 =	vshll.u32 v22, $0x7;
	[tilespmem:s16+$0xFFFFFFE0] =	vst v27;
	v24 =	vld.idx.msk [tilespmem:v29+s3+$0x0], $0xffff  }
0x128: {  	v29 =	vshll.u32 v26, $0x7;
	v22 =	vor.u32 v0, v10;
	[tilespmem:s16+$0xFFFFFFC0] =	vst v20;
	v33 =	vld.idx.msk [tilespmem:v33+s3+$0x0], $0xffff  }
0x129: {  	v26 =	vor.u32 v7, v10;
	v20 =	vor.u32 v0, v29;
	[tilespmem:s16+$0xFFFFFF90] =	vst v23;
	v34 =	vld.idx.msk [tilespmem:v34+s3+$0x0], $0xffff  }
0x12a: {  	v18 =	vshll.u32 v31, $0x7;
	v23 =	vor.u32 v1, v29;
	v28 =	vshll.u32 v28, $0x7;
	[tilespmem:s16+$0xFFFFFF80] =	vst v30;
	v30 =	vld.idx.msk [tilespmem:v21+s3+$0x0], $0xffff  }
0x12b: {  	v21 =	vor.u32 v0, v28;
	[tilespmem:s16+$0xFFFFFFD0] =	vst v37;
	v37 =	vld.idx.msk [tilespmem:v19+s3+$0x0], $0xffff  }
0x12c: {  	v31 =	vor.u32 v7, v18;
	v19 =	vor.u32 v1, v28;
	v38 =	vld.idx.msk [tilespmem:v14+s3+$0x0], $0xffff;
	[tilespmem:s16+$0x80] =	vst v13;
	v14 =	vmov v20  }
0x12d: {  	v39 =	vor.u32 v2, v28;
	v13 =	vld.idx.msk [tilespmem:v22+s3+$0x0], $0xffff;
	[tilespmem:s16+$0xFFFFFF60] =	vst v32  }
0x12e: {  	v22 =	vor.u32 v3, v28;
	v40 =	vld.idx.msk [tilespmem:v26+s3+$0x0], $0xffff;
	[tilespmem:s16+$0xFFFFFFB0] =	vst v25  }
0x12f: {  	v26 =	vor.u32 v4, v28;
	v32 =	vld.idx.msk [tilespmem:v23+s3+$0x0], $0xffff;
	[tilespmem:s16+$0xFFFFFF50] =	vst v35  }
0x130: {  	v25 =	vor.u32 v3, v18;
	v20 =	vld.idx.msk [tilespmem:v21+s3+$0x0], $0xffff;
	v21 =	vor.u32 v5, v28;
	[tilespmem:s16+$0xFFFFFF40] =	vst v36  }
0x131: {  	v35 =	vor.u32 v6, v28;
	v19 =	vld.idx.msk [tilespmem:v19+s3+$0x0], $0xffff;
	[tilespmem:s16+$0xFFFFFF20] =	vst v16  }
0x132: {  	v27 =	vor.u32 v6, v18;
	v23 =	vld.idx.msk [tilespmem:v39+s3+$0x0], $0xffff;
	[tilespmem:s16+$0xD0] =	vst v34  }
0x133: {  	v16 =	vor.u32 v7, v28;
	v22 =	vld.idx.msk [tilespmem:v22+s3+$0x0], $0xffff;
	[tilespmem:s16+$0xE0] =	vst v24  }
0x134: {  	v34 =	vor.u32 v2, v29;
	v26 =	vld.idx.msk [tilespmem:v26+s3+$0x0], $0xffff;
	[tilespmem:s16+$0xA0] =	vst v33  }
0x135: {  	v39 =	vor.u32 v3, v29;
	v21 =	vld.idx.msk [tilespmem:v21+s3+$0x0], $0xffff;
	[tilespmem:s16+$0xC0] =	vst v30  }
.Ltmp7:
0x136: {  	v36 =	vor.u32 v4, v29;
	v28 =	vld.idx.msk [tilespmem:v35+s3+$0x0], $0xffff;
	[tilespmem:s16+$0xFFFFFF10] =	vst v11;
	v11 =	vmov v32;
	(pc) =	sbr.rel @p0 .LBB2_4-.Ltmp7, $4  }
0x137: {  	v35 =	vor.u32 v5, v29;
	v24 =	vld.idx.msk [tilespmem:v31+s3+$0x0], $0xffff;
	[tilespmem:s16+$0xFFFFFF00] =	vst v38  }
0x138: {  	v32 =	vor.u32 v6, v29;
	v31 =	vld.idx.msk [tilespmem:v16+s3+$0x0], $0xffff;
	[tilespmem:s16+$0xF0] =	vst v9;
	v9 =	vmov v40  }
0x139: {  	v30 =	vor.u32 v0, v18;
	v16 =	vld.idx.msk [tilespmem:v34+s3+$0x0], $0xffff;
	v34 =	vor.u32 v7, v29;
	[tilespmem:s16+$0xB0] =	vst v37  }
0x13a: {  	v33 =	vor.u32 v2, v18;
	v29 =	vor.u32 v4, v18;
	[tilespmem:s16+$0xFFFFFF30] =	vst v15;
	v15 =	vld.idx.msk [tilespmem:v39+s3+$0x0], $0xffff  }
.Ltmp8:
0x13b: {  	_ = 	snop;
	(pc) =	sbr.rel .LBB2_5-.Ltmp8, $1  }
0x13c: {  	_ =	sdelay $0x3  }
.LBB2_11:
0x13d: {  	_ =	sfence.sel $0x180000  }
0x13e: {  	[bflag:$0x0] =	sbarrier.arrive $0xFFFF  }
0x13f: {  	p0 =	sne.s32 s0, $0x0;
	_ =	strace $0x90000047  }
0x140: {  	s0 =	sadd.s32 @!p0 $0x100000, s1;
	[bflag:$0x2] =	sbarrier.arrive $0xFFFF  }
0x141: {  	[sflag:s0] =	ssyncadd.tile.s32 @!p0 $0x1;
	_ =	shalt  }
.Lfunc_end2:
_tile_overlayer_lowered:
.L_overlay_start_2:
0x142: {  	(tag) =	ssettag $0x2  }
0x143: {  	s0 =	rddreg [dreg:$0x0];
	s2 =	stileid.u32  }
0x144: {  	s1 =	rddreg [dreg:$0x1];
	p0 =	sne.s32 s2, $0x0  }
0x145: {  	s3 =	rddreg [dreg:$0x2];
	[bflag:$0x3] =	sbarrier.arrive $0xFFFF;
	s2 =	simm.s32 @!p0 $0x1C03  }
0x146: {  	[timem:s3], [sflag:s2] =	dma.local @!p0 [hbm:s0], s1  }
0x147: {  	s0 =	simm.s32 @!p0 $0x3  }
0x148: {  	_ =	swait.ge @!p0 [sflag:s0], s1  }
0x149: {  	s1 =	ssub.s32 @!p0 $0x0, s1;
	[sflag:s0] =	ssyncset.done @!p0 $0x0  }
0x14a: {  	[sflag:s0] =	ssyncadd.s32 @!p0 s1  }
0x14b: {  	[bflag:$0x3] =	sbarrier.arrive $0xFFFF  }
0x14c: {  	_ =	shalt  }

</sc_bundles>
